<compile_context>
chip_gen: v7x
topology: tpu7x:2x2x1
jax: 0.10.2.dev20260603
libtpu: 0.0.44.dev20260713+nightly
codegen_flags: <defaults>
</compile_context>

<pallas_src>
import functools

import jax
import jax.numpy as jnp
from jax import lax
from jax.experimental import pallas as pl
from jax.experimental.pallas import tpu as pltpu
from jax.experimental.pallas import tpu_sc as plsc

_N = 100000
_D = 128
_DIM = 1024
_PAD = 100352
_ROWS = 784

_BLK = 400
_NBLK = _N // _BLK
_BPW = -(-_NBLK // 16)

_NEG = float("-inf")


def _cluster_body(p0_ref, p1_ref, b_ref, cid_ref):
    p0 = p0_ref[...]
    p1 = p1_ref[...]
    b = b_ref[...]
    sx = jnp.min(p0)
    ex = jnp.max(p0)
    sy = jnp.min(p1)
    ey = jnp.max(p1)
    k0 = jnp.floor((p0 - sx) / 0.125).astype(jnp.int32)
    k1 = jnp.floor((p1 - sy) / 0.125).astype(jnp.int32)
    num0 = jnp.floor((ex - sx) / 0.125).astype(jnp.int32) + 1
    num1 = jnp.floor((ey - sy) / 0.125).astype(jnp.int32) + 1
    bmin = jnp.min(b)
    cid_ref[...] = k0 + k1 * num0 + (b - bmin) * (num0 * num1)


def _compute_cluster(pos, batch):
    p0 = jnp.pad(pos[:, 0], (0, _PAD - _N), mode="edge").reshape(_ROWS, _D)
    p1 = jnp.pad(pos[:, 1], (0, _PAD - _N), mode="edge").reshape(_ROWS, _D)
    b = jnp.pad(batch, (0, _PAD - _N), mode="edge").reshape(_ROWS, _D)
    cid = pl.pallas_call(
        _cluster_body,
        out_shape=jax.ShapeDtypeStruct((_ROWS, _D), jnp.int32),
    )(p0, p1, b)
    return cid.reshape(-1)[:_N]


def _segmax_body(x_hbm, cid_hbm, out_hbm, xblk, cidv, acc, parts, res,
                 tmp, sem):
    c = lax.axis_index("c")
    s = lax.axis_index("s")
    fbase = c * 64

    neg16 = jnp.full((16,), _NEG, dtype=jnp.float32)

    def init_row(i, carry):
        acc[pl.ds(i * 16, 16)] = neg16
        return carry

    lax.fori_loop(0, _DIM * 4, init_row, 0)

    def block(k, carry):
        bid = s + k * 16

        @pl.when(bid < _NBLK)
        def _():
            base = bid * _BLK
            pltpu.sync_copy(cid_hbm.at[pl.ds(base, _BLK)], cidv)
            pltpu.sync_copy(x_hbm.at[pl.ds(base, _BLK), :], xblk)

            def group(g, carry2):
                cvec = cidv[pl.ds(g * 16, 16)]
                for j in range(16):
                    cc = cvec[j]
                    i = g * 16 + j
                    for f in range(4):
                        asl = pl.ds(cc * 64 + f * 16, 16)
                        xsl = pl.ds(fbase + f * 16, 16)
                        acc[asl] = jnp.maximum(acc[asl], xblk[i, xsl])
                return carry2

            lax.fori_loop(0, _BLK // 16, group, 0)

        return carry

    lax.fori_loop(0, _BPW, block, 0)

    zeros16 = jnp.zeros((16,), jnp.float32)
    wid = c * 16 + s
    pltpu.sync_copy(acc, parts.at[pl.ds(wid * 65536, 65536)])
    plsc.subcore_barrier()

    wbase = s * 4096
    pltpu.sync_copy(parts.at[pl.ds(c * 16 * 65536 + wbase, 4096)], res)

    def merge(q, carry):
        pltpu.sync_copy(
            parts.at[pl.ds((c * 16 + q) * 65536 + wbase, 4096)], tmp)

        def chunk(i, carry2):
            sl = pl.ds(i * 16, 16)
            res[sl] = jnp.maximum(res[sl], tmp[sl])
            return carry2

        lax.fori_loop(0, 256, chunk, 0)
        return carry

    lax.fori_loop(1, 16, merge, 0)

    def finalize(i, carry):
        sl = pl.ds(i * 16, 16)
        v = res[sl]
        res[sl] = jnp.where(v == _NEG, zeros16, v)
        return carry

    lax.fori_loop(0, 256, finalize, 0)
    pltpu.sync_copy(res, out_hbm.at[c, pl.ds(wbase, 4096)])


_segmax = functools.partial(
    pl.kernel,
    out_type=jax.ShapeDtypeStruct((2, _DIM * 64), jnp.float32),
    mesh=plsc.VectorSubcoreMesh(core_axis_name="c", subcore_axis_name="s"),
    scratch_types=[
        pltpu.VMEM((_BLK, _D), jnp.float32),
        pltpu.VMEM((_BLK,), jnp.int32),
        pltpu.VMEM((_DIM * 64,), jnp.float32),
        pltpu.HBM((32 * _DIM * 64,), jnp.float32),
        pltpu.VMEM((4096,), jnp.float32),
        pltpu.VMEM((4096,), jnp.float32),
        pltpu.SemaphoreType.DMA,
    ],
)(_segmax_body)


def kernel(x, pos, batch):
    cid = _compute_cluster(pos, batch)
    halves = _segmax(x, cid)
    halves = halves.reshape(2, _DIM, 64)
    return jnp.concatenate([halves[0], halves[1]], axis=1)

# --- scband reference (transcript-rebuilt; emitter-appended) ---
"""Pipeline reference for scband-graph-pooling-out-28587302322979 (READ-ONLY COPY).

The authoritative reference and input builder live on the scoring server;
editing this copy changes nothing except your own understanding.
"""

import jax, jax.numpy as jnp
import numpy as np

VOXEL_SIZE = [0.125, 0.125]
SIZE = 64


def setup_inputs(seed: int = 0):
    key = jax.random.key(seed)
    k1, k2, k3 = jax.random.split(key, 3)
    N, D = 100000, 128
    x = jax.random.normal(k1, (N, D), dtype=jnp.float32)
    pos = jax.random.uniform(k2, (N, 2), dtype=jnp.float32)
    batch = jnp.sort(jax.random.randint(k3, (N,), 0, 16, dtype=jnp.int32))
    return {"x": x, "pos": pos, "batch": batch}


def _voxel_grid(pos2, batch, voxel_size):
    # Faithful port of torch_cluster.grid_cluster with batch appended as an
    # extra coordinate with voxel size 1 (what PyG's voxel_grid does).
    size = jnp.asarray(list(voxel_size) + [1.0], dtype=pos2.dtype)
    pos3 = jnp.concatenate([pos2, batch[:, None].astype(pos2.dtype)], axis=1)
    start = pos3.min(axis=0)
    end = pos3.max(axis=0)
    k = jnp.floor((pos3 - start) / size).astype(jnp.int32)
    num = jnp.floor((end - start) / size).astype(jnp.int32) + 1
    cluster = k[:, 0] + k[:, 1] * num[0] + k[:, 2] * num[0] * num[1]
    return cluster


def reference(x, pos, batch):
    # cluster = voxel_grid(pos[:, :2], batch, size=voxel_size)
    cluster = _voxel_grid(pos[:, :2], batch, VOXEL_SIZE)
    # max_pool_x(cluster, x, batch, size=size): scatter-max into
    # dim_size = batch_size * size; empty clusters stay 0 (PyG zeros-init).
    batch_size = 16
    dim_size = batch_size * SIZE
    out = jax.ops.segment_max(x, cluster.astype(jnp.int32), num_segments=dim_size)
    out = jnp.where(jnp.isneginf(out), jnp.zeros_like(out), out)
    return out

if __name__ == "__main__":
    import jax
    _d = setup_inputs()
    print(jax.jit(kernel)(*tuple(_d.values())))

</pallas_src>

<mosaic_0001>
#map = affine_map<(d0, d1) -> (0, 0)>
#map1 = affine_map<(d0, d1) -> (0)>
module attributes {stable_mosaic.version = 14 : i64} {
  func.func @_segmax_body(%arg0: i32, %arg1: i32, %arg2: memref<100000x128xf32, #tpu.memory_space<hbm>>, %arg3: memref<100000xi32, #tpu.memory_space<hbm>>, %arg4: memref<2x65536xf32, #tpu.memory_space<hbm>>, %arg5: memref<400x128xf32, #tpu.memory_space<vmem>>, %arg6: memref<400xi32, #tpu.memory_space<vmem>>, %arg7: memref<65536xf32, #tpu.memory_space<vmem>>, %arg8: memref<2097152xf32, #tpu.memory_space<hbm>>, %arg9: memref<4096xf32, #tpu.memory_space<vmem>>, %arg10: memref<4096xf32, #tpu.memory_space<vmem>>, %arg11: memref<!tpu.dma_semaphore, #tpu.memory_space<semaphore_mem>>) attributes {dimension_semantics = [#tpu.dimension_semantics<core_parallel>, #tpu.dimension_semantics<subcore_parallel>], iteration_bounds = array<i64: 2, 16>, scalar_prefetch = 0 : i64, scratch_operands = 7 : i64, tpu.core_type = #tpu.core_type<sc_vector_subcore>, window_params = [{transform_indices = #map}, {transform_indices = #map1}, {transform_indices = #map}]} {
    %mul3A = arith.constant 64 : i32
    %mul3A_0 = arith.muli %arg0, %mul3A : i32
    %broadcast_in_dim3A = arith.constant 0xFF800000 : f32
    %broadcast_in_dim3A_1 = vector.broadcast %broadcast_in_dim3A : f32 to vector<16xf32>
    %scan3A = arith.constant 0 : i32
    %scan3A_2 = arith.constant 0 : i32
    %scan3A_3 = arith.constant 4096 : i32
    %scan3A_4 = arith.addi %scan3A_2, %scan3A_3 : i32
    %scan3A_5 = arith.constant 1 : i32
    scf.for %scan3A_38 = %scan3A_2 to %scan3A_4 step %scan3A_5  : i32 {
      %mul3A_39 = arith.constant 16 : i32
      %mul3A_40 = arith.muli %scan3A_38, %mul3A_39 : i32
      %swap3A = arith.index_cast %mul3A_40 : i32 to index
      %swap3A_41 = tpu.vector_load %arg7[%swap3A] {strides = array<i32>} : memref<65536xf32, #tpu.memory_space<vmem>>, vector<16xf32>,
      %swap3A_42 = vector.shape_cast %swap3A_41 : vector<16xf32> to vector<16xf32>
      %swap3A_43 = vector.shape_cast %broadcast_in_dim3A_1 : vector<16xf32> to vector<16xf32>
      tpu.vector_store %arg7[%swap3A], %swap3A_43 {strides = array<i32>} : memref<65536xf32, #tpu.memory_space<vmem>>, vector<16xf32>,
    }
    %scan3A_6 = arith.constant 4096 : i32
    %scan3A_7 = arith.constant 0 : i32
    %scan3A_8 = arith.constant 0 : i32
    %scan3A_9 = arith.constant 16 : i32
    %scan3A_10 = arith.addi %scan3A_8, %scan3A_9 : i32
    %scan3A_11 = arith.constant 1 : i32
    scf.for %scan3A_38 = %scan3A_8 to %scan3A_10 step %scan3A_11  : i32 {
      %mul3A_39 = arith.constant 16 : i32
      %mul3A_40 = arith.muli %scan3A_38, %mul3A_39 : i32
      %add3A_41 = arith.addi %arg1, %mul3A_40 : i32
      %lt3A = arith.constant 250 : i32
      %lt3A_42 = arith.cmpi slt, %add3A_41, %lt3A : i32
      %convert_element_type3A = arith.extui %lt3A_42 : i1 to i32
      %cond3A = arith.constant 0 : i32
      %cond3A_43 = arith.cmpi ne, %convert_element_type3A, %cond3A : i32
      scf.if %cond3A_43 {
        %mul3A_44 = arith.constant 400 : i32
        %mul3A_45 = arith.muli %add3A_41, %mul3A_44 : i32
        "tpu.region"() ({
          %run_scoped3A = tpu.sem_alloc : memref<!tpu.dma_semaphore, #tpu.memory_space<semaphore_mem>>
          %dma_start3A = tpu.memref_slice %arg3[%mul3A_45] : memref<100000xi32, #tpu.memory_space<hbm>> -> memref<400xi32, #tpu.memory_space<hbm>>
          %dma_start3A_52 = tpu.memref_slice %arg3[%mul3A_45] : memref<100000xi32, #tpu.memory_space<hbm>> -> memref<400xi32, #tpu.memory_space<hbm>>
          tpu.enqueue_dma source(%dma_start3A_52 : memref<400xi32, #tpu.memory_space<hbm>>) target(%arg6 : memref<400xi32, #tpu.memory_space<vmem>>) target_semaphore(%run_scoped3A : memref<!tpu.dma_semaphore, #tpu.memory_space<semaphore_mem>>)
          %dma_wait3A = tpu.memref_slice %arg3[%mul3A_45] : memref<100000xi32, #tpu.memory_space<hbm>> -> memref<400xi32, #tpu.memory_space<hbm>>
          %dma_wait3A_53 = tpu.memref_slice %arg3[%mul3A_45] : memref<100000xi32, #tpu.memory_space<hbm>> -> memref<400xi32, #tpu.memory_space<hbm>>
          tpu.wait_dma2 semaphore(%run_scoped3A : memref<!tpu.dma_semaphore, #tpu.memory_space<semaphore_mem>>) src(%dma_wait3A_53 : memref<400xi32, #tpu.memory_space<hbm>>) dst(%arg6 : memref<400xi32, #tpu.memory_space<vmem>>)
          tpu.yield
        }) : () -> ()
        "tpu.region"() ({
          %run_scoped3A = tpu.sem_alloc : memref<!tpu.dma_semaphore, #tpu.memory_space<semaphore_mem>>
          %dma_start3A = arith.constant 0 : i32
          %dma_start3A_52 = tpu.memref_slice %arg2[%mul3A_45, %dma_start3A] : memref<100000x128xf32, #tpu.memory_space<hbm>> -> memref<400x128xf32, #tpu.memory_space<hbm>>
          %dma_start3A_53 = arith.constant 0 : i32
          %dma_start3A_54 = tpu.memref_slice %arg2[%mul3A_45, %dma_start3A_53] : memref<100000x128xf32, #tpu.memory_space<hbm>> -> memref<400x128xf32, #tpu.memory_space<hbm>>
          tpu.enqueue_dma source(%dma_start3A_54 : memref<400x128xf32, #tpu.memory_space<hbm>>) target(%arg5 : memref<400x128xf32, #tpu.memory_space<vmem>>) target_semaphore(%run_scoped3A : memref<!tpu.dma_semaphore, #tpu.memory_space<semaphore_mem>>)
          %dma_wait3A = arith.constant 0 : i32
          %dma_wait3A_55 = tpu.memref_slice %arg2[%mul3A_45, %dma_wait3A] : memref<100000x128xf32, #tpu.memory_space<hbm>> -> memref<400x128xf32, #tpu.memory_space<hbm>>
          %dma_wait3A_56 = arith.constant 0 : i32
          %dma_wait3A_57 = tpu.memref_slice %arg2[%mul3A_45, %dma_wait3A_56] : memref<100000x128xf32, #tpu.memory_space<hbm>> -> memref<400x128xf32, #tpu.memory_space<hbm>>
          tpu.wait_dma2 semaphore(%run_scoped3A : memref<!tpu.dma_semaphore, #tpu.memory_space<semaphore_mem>>) src(%dma_wait3A_57 : memref<400x128xf32, #tpu.memory_space<hbm>>) dst(%arg5 : memref<400x128xf32, #tpu.memory_space<vmem>>)
          tpu.yield
        }) : () -> ()
        %scan3A_46 = arith.constant 0 : i32
        %scan3A_47 = arith.constant 0 : i32
        %scan3A_48 = arith.constant 25 : i32
        %scan3A_49 = arith.addi %scan3A_47, %scan3A_48 : i32
        %scan3A_50 = arith.constant 1 : i32
        scf.for %scan3A_52 = %scan3A_47 to %scan3A_49 step %scan3A_50  : i32 {
          %mul3A_53 = arith.constant 16 : i32
          %mul3A_54 = arith.muli %scan3A_52, %mul3A_53 : i32
          %get3A = arith.index_cast %mul3A_54 : i32 to index
          %get3A_55 = tpu.vector_load %arg6[%get3A] {strides = array<i32>} : memref<400xi32, #tpu.memory_space<vmem>>, vector<16xi32>,
          %get3A_56 = vector.shape_cast %get3A_55 : vector<16xi32> to vector<16xi32>
          %slice3A = vector.extract_strided_slice %get3A_56 {offsets = [0], sizes = [1], strides = [1]} : vector<16xi32> to vector<1xi32>
          %squeeze3A = vector.extract %slice3A[0] : i32 from vector<1xi32>
          %mul3A_57 = arith.constant 16 : i32
          %mul3A_58 = arith.muli %scan3A_52, %mul3A_57 : i32
          %add3A_59 = arith.constant 0 : i32
          %add3A_60 = arith.addi %mul3A_58, %add3A_59 : i32
          %mul3A_61 = arith.constant 64 : i32
          %mul3A_62 = arith.muli %squeeze3A, %mul3A_61 : i32
          %add3A_63 = arith.constant 0 : i32
          %add3A_64 = arith.addi %mul3A_62, %add3A_63 : i32
          %add3A_65 = arith.constant 0 : i32
          %add3A_66 = arith.addi %mul3A_0, %add3A_65 : i32
          %get3A_67 = arith.index_cast %add3A_64 : i32 to index
          %get3A_68 = tpu.vector_load %arg7[%get3A_67] {strides = array<i32>} : memref<65536xf32, #tpu.memory_space<vmem>>, vector<16xf32>,
          %get3A_69 = vector.shape_cast %get3A_68 : vector<16xf32> to vector<16xf32>
          %get3A_70 = arith.index_cast %add3A_60 : i32 to index
          %get3A_71 = arith.index_cast %add3A_66 : i32 to index
          %get3A_72 = tpu.vector_load %arg5[%get3A_70, %get3A_71] {strides = array<i32>} : memref<400x128xf32, #tpu.memory_space<vmem>>, vector<1x16xf32>,
          %get3A_73 = vector.shape_cast %get3A_72 : vector<1x16xf32> to vector<16xf32>
          %max3A = arith.maximumf %get3A_69, %get3A_73 : vector<16xf32>
          %swap3A = arith.index_cast %add3A_64 : i32 to index
          %swap3A_74 = tpu.vector_load %arg7[%swap3A] {strides = array<i32>} : memref<65536xf32, #tpu.memory_space<vmem>>, vector<16xf32>,
          %swap3A_75 = vector.shape_cast %swap3A_74 : vector<16xf32> to vector<16xf32>
          %swap3A_76 = vector.shape_cast %max3A : vector<16xf32> to vector<16xf32>
          tpu.vector_store %arg7[%swap3A], %swap3A_76 {strides = array<i32>} : memref<65536xf32, #tpu.memory_space<vmem>>, vector<16xf32>,
          %mul3A_77 = arith.constant 64 : i32
          %mul3A_78 = arith.muli %squeeze3A, %mul3A_77 : i32
          %add3A_79 = arith.constant 16 : i32
          %add3A_80 = arith.addi %mul3A_78, %add3A_79 : i32
          %add3A_81 = arith.constant 16 : i32
          %add3A_82 = arith.addi %mul3A_0, %add3A_81 : i32
          %get3A_83 = arith.index_cast %add3A_80 : i32 to index
          %get3A_84 = tpu.vector_load %arg7[%get3A_83] {strides = array<i32>} : memref<65536xf32, #tpu.memory_space<vmem>>, vector<16xf32>,
          %get3A_85 = vector.shape_cast %get3A_84 : vector<16xf32> to vector<16xf32>
          %get3A_86 = arith.index_cast %add3A_60 : i32 to index
          %get3A_87 = arith.index_cast %add3A_82 : i32 to index
          %get3A_88 = tpu.vector_load %arg5[%get3A_86, %get3A_87] {strides = array<i32>} : memref<400x128xf32, #tpu.memory_space<vmem>>, vector<1x16xf32>,
          %get3A_89 = vector.shape_cast %get3A_88 : vector<1x16xf32> to vector<16xf32>
          %max3A_90 = arith.maximumf %get3A_85, %get3A_89 : vector<16xf32>
          %swap3A_91 = arith.index_cast %add3A_80 : i32 to index
          %swap3A_92 = tpu.vector_load %arg7[%swap3A_91] {strides = array<i32>} : memref<65536xf32, #tpu.memory_space<vmem>>, vector<16xf32>,
          %swap3A_93 = vector.shape_cast %swap3A_92 : vector<16xf32> to vector<16xf32>
          %swap3A_94 = vector.shape_cast %max3A_90 : vector<16xf32> to vector<16xf32>
          tpu.vector_store %arg7[%swap3A_91], %swap3A_94 {strides = array<i32>} : memref<65536xf32, #tpu.memory_space<vmem>>, vector<16xf32>,
          %mul3A_95 = arith.constant 64 : i32
          %mul3A_96 = arith.muli %squeeze3A, %mul3A_95 : i32
          %add3A_97 = arith.constant 32 : i32
          %add3A_98 = arith.addi %mul3A_96, %add3A_97 : i32
          %add3A_99 = arith.constant 32 : i32
          %add3A_100 = arith.addi %mul3A_0, %add3A_99 : i32
          %get3A_101 = arith.index_cast %add3A_98 : i32 to index
          %get3A_102 = tpu.vector_load %arg7[%get3A_101] {strides = array<i32>} : memref<65536xf32, #tpu.memory_space<vmem>>, vector<16xf32>,
          %get3A_103 = vector.shape_cast %get3A_102 : vector<16xf32> to vector<16xf32>
          %get3A_104 = arith.index_cast %add3A_60 : i32 to index
          %get3A_105 = arith.index_cast %add3A_100 : i32 to index
          %get3A_106 = tpu.vector_load %arg5[%get3A_104, %get3A_105] {strides = array<i32>} : memref<400x128xf32, #tpu.memory_space<vmem>>, vector<1x16xf32>,
          %get3A_107 = vector.shape_cast %get3A_106 : vector<1x16xf32> to vector<16xf32>
          %max3A_108 = arith.maximumf %get3A_103, %get3A_107 : vector<16xf32>
          %swap3A_109 = arith.index_cast %add3A_98 : i32 to index
          %swap3A_110 = tpu.vector_load %arg7[%swap3A_109] {strides = array<i32>} : memref<65536xf32, #tpu.memory_space<vmem>>, vector<16xf32>,
          %swap3A_111 = vector.shape_cast %swap3A_110 : vector<16xf32> to vector<16xf32>
          %swap3A_112 = vector.shape_cast %max3A_108 : vector<16xf32> to vector<16xf32>
          tpu.vector_store %arg7[%swap3A_109], %swap3A_112 {strides = array<i32>} : memref<65536xf32, #tpu.memory_space<vmem>>, vector<16xf32>,
          %mul3A_113 = arith.constant 64 : i32
          %mul3A_114 = arith.muli %squeeze3A, %mul3A_113 : i32
          %add3A_115 = arith.constant 48 : i32
          %add3A_116 = arith.addi %mul3A_114, %add3A_115 : i32
          %add3A_117 = arith.constant 48 : i32
          %add3A_118 = arith.addi %mul3A_0, %add3A_117 : i32
          %get3A_119 = arith.index_cast %add3A_116 : i32 to index
          %get3A_120 = tpu.vector_load %arg7[%get3A_119] {strides = array<i32>} : memref<65536xf32, #tpu.memory_space<vmem>>, vector<16xf32>,
          %get3A_121 = vector.shape_cast %get3A_120 : vector<16xf32> to vector<16xf32>
          %get3A_122 = arith.index_cast %add3A_60 : i32 to index
          %get3A_123 = arith.index_cast %add3A_118 : i32 to index
          %get3A_124 = tpu.vector_load %arg5[%get3A_122, %get3A_123] {strides = array<i32>} : memref<400x128xf32, #tpu.memory_space<vmem>>, vector<1x16xf32>,
          %get3A_125 = vector.shape_cast %get3A_124 : vector<1x16xf32> to vector<16xf32>
          %max3A_126 = arith.maximumf %get3A_121, %get3A_125 : vector<16xf32>
          %swap3A_127 = arith.index_cast %add3A_116 : i32 to index
          %swap3A_128 = tpu.vector_load %arg7[%swap3A_127] {strides = array<i32>} : memref<65536xf32, #tpu.memory_space<vmem>>, vector<16xf32>,
          %swap3A_129 = vector.shape_cast %swap3A_128 : vector<16xf32> to vector<16xf32>
          %swap3A_130 = vector.shape_cast %max3A_126 : vector<16xf32> to vector<16xf32>
          tpu.vector_store %arg7[%swap3A_127], %swap3A_130 {strides = array<i32>} : memref<65536xf32, #tpu.memory_space<vmem>>, vector<16xf32>,
          %slice3A_131 = vector.extract_strided_slice %get3A_56 {offsets = [1], sizes = [1], strides = [1]} : vector<16xi32> to vector<1xi32>
          %squeeze3A_132 = vector.extract %slice3A_131[0] : i32 from vector<1xi32>
          %mul3A_133 = arith.constant 16 : i32
          %mul3A_134 = arith.muli %scan3A_52, %mul3A_133 : i32
          %add3A_135 = arith.constant 1 : i32
          %add3A_136 = arith.addi %mul3A_134, %add3A_135 : i32
          %mul3A_137 = arith.constant 64 : i32
          %mul3A_138 = arith.muli %squeeze3A_132, %mul3A_137 : i32
          %add3A_139 = arith.constant 0 : i32
          %add3A_140 = arith.addi %mul3A_138, %add3A_139 : i32
          %add3A_141 = arith.constant 0 : i32
          %add3A_142 = arith.addi %mul3A_0, %add3A_141 : i32
          %get3A_143 = arith.index_cast %add3A_140 : i32 to index
          %get3A_144 = tpu.vector_load %arg7[%get3A_143] {strides = array<i32>} : memref<65536xf32, #tpu.memory_space<vmem>>, vector<16xf32>,
          %get3A_145 = vector.shape_cast %get3A_144 : vector<16xf32> to vector<16xf32>
          %get3A_146 = arith.index_cast %add3A_136 : i32 to index
          %get3A_147 = arith.index_cast %add3A_142 : i32 to index
          %get3A_148 = tpu.vector_load %arg5[%get3A_146, %get3A_147] {strides = array<i32>} : memref<400x128xf32, #tpu.memory_space<vmem>>, vector<1x16xf32>,
          %get3A_149 = vector.shape_cast %get3A_148 : vector<1x16xf32> to vector<16xf32>
          %max3A_150 = arith.maximumf %get3A_145, %get3A_149 : vector<16xf32>
          %swap3A_151 = arith.index_cast %add3A_140 : i32 to index
          %swap3A_152 = tpu.vector_load %arg7[%swap3A_151] {strides = array<i32>} : memref<65536xf32, #tpu.memory_space<vmem>>, vector<16xf32>,
          %swap3A_153 = vector.shape_cast %swap3A_152 : vector<16xf32> to vector<16xf32>
          %swap3A_154 = vector.shape_cast %max3A_150 : vector<16xf32> to vector<16xf32>
          tpu.vector_store %arg7[%swap3A_151], %swap3A_154 {strides = array<i32>} : memref<65536xf32, #tpu.memory_space<vmem>>, vector<16xf32>,
          %mul3A_155 = arith.constant 64 : i32
          %mul3A_156 = arith.muli %squeeze3A_132, %mul3A_155 : i32
          %add3A_157 = arith.constant 16 : i32
          %add3A_158 = arith.addi %mul3A_156, %add3A_157 : i32
          %add3A_159 = arith.constant 16 : i32
          %add3A_160 = arith.addi %mul3A_0, %add3A_159 : i32
          %get3A_161 = arith.index_cast %add3A_158 : i32 to index
          %get3A_162 = tpu.vector_load %arg7[%get3A_161] {strides = array<i32>} : memref<65536xf32, #tpu.memory_space<vmem>>, vector<16xf32>,
          %get3A_163 = vector.shape_cast %get3A_162 : vector<16xf32> to vector<16xf32>
          %get3A_164 = arith.index_cast %add3A_136 : i32 to index
          %get3A_165 = arith.index_cast %add3A_160 : i32 to index
          %get3A_166 = tpu.vector_load %arg5[%get3A_164, %get3A_165] {strides = array<i32>} : memref<400x128xf32, #tpu.memory_space<vmem>>, vector<1x16xf32>,
          %get3A_167 = vector.shape_cast %get3A_166 : vector<1x16xf32> to vector<16xf32>
          %max3A_168 = arith.maximumf %get3A_163, %get3A_167 : vector<16xf32>
          %swap3A_169 = arith.index_cast %add3A_158 : i32 to index
          %swap3A_170 = tpu.vector_load %arg7[%swap3A_169] {strides = array<i32>} : memref<65536xf32, #tpu.memory_space<vmem>>, vector<16xf32>,
          %swap3A_171 = vector.shape_cast %swap3A_170 : vector<16xf32> to vector<16xf32>
          %swap3A_172 = vector.shape_cast %max3A_168 : vector<16xf32> to vector<16xf32>
          tpu.vector_store %arg7[%swap3A_169], %swap3A_172 {strides = array<i32>} : memref<65536xf32, #tpu.memory_space<vmem>>, vector<16xf32>,
          %mul3A_173 = arith.constant 64 : i32
          %mul3A_174 = arith.muli %squeeze3A_132, %mul3A_173 : i32
          %add3A_175 = arith.constant 32 : i32
          %add3A_176 = arith.addi %mul3A_174, %add3A_175 : i32
          %add3A_177 = arith.constant 32 : i32
          %add3A_178 = arith.addi %mul3A_0, %add3A_177 : i32
          %get3A_179 = arith.index_cast %add3A_176 : i32 to index
          %get3A_180 = tpu.vector_load %arg7[%get3A_179] {strides = array<i32>} : memref<65536xf32, #tpu.memory_space<vmem>>, vector<16xf32>,
          %get3A_181 = vector.shape_cast %get3A_180 : vector<16xf32> to vector<16xf32>
          %get3A_182 = arith.index_cast %add3A_136 : i32 to index
          %get3A_183 = arith.index_cast %add3A_178 : i32 to index
          %get3A_184 = tpu.vector_load %arg5[%get3A_182, %get3A_183] {strides = array<i32>} : memref<400x128xf32, #tpu.memory_space<vmem>>, vector<1x16xf32>,
          %get3A_185 = vector.shape_cast %get3A_184 : vector<1x16xf32> to vector<16xf32>
          %max3A_186 = arith.maximumf %get3A_181, %get3A_185 : vector<16xf32>
          %swap3A_187 = arith.index_cast %add3A_176 : i32 to index
          %swap3A_188 = tpu.vector_load %arg7[%swap3A_187] {strides = array<i32>} : memref<65536xf32, #tpu.memory_space<vmem>>, vector<16xf32>,
          %swap3A_189 = vector.shape_cast %swap3A_188 : vector<16xf32> to vector<16xf32>
          %swap3A_190 = vector.shape_cast %max3A_186 : vector<16xf32> to vector<16xf32>
          tpu.vector_store %arg7[%swap3A_187], %swap3A_190 {strides = array<i32>} : memref<65536xf32, #tpu.memory_space<vmem>>, vector<16xf32>,
          %mul3A_191 = arith.constant 64 : i32
          %mul3A_192 = arith.muli %squeeze3A_132, %mul3A_191 : i32
          %add3A_193 = arith.constant 48 : i32
          %add3A_194 = arith.addi %mul3A_192, %add3A_193 : i32
          %add3A_195 = arith.constant 48 : i32
          %add3A_196 = arith.addi %mul3A_0, %add3A_195 : i32
          %get3A_197 = arith.index_cast %add3A_194 : i32 to index
          %get3A_198 = tpu.vector_load %arg7[%get3A_197] {strides = array<i32>} : memref<65536xf32, #tpu.memory_space<vmem>>, vector<16xf32>,
          %get3A_199 = vector.shape_cast %get3A_198 : vector<16xf32> to vector<16xf32>
          %get3A_200 = arith.index_cast %add3A_136 : i32 to index
          %get3A_201 = arith.index_cast %add3A_196 : i32 to index
          %get3A_202 = tpu.vector_load %arg5[%get3A_200, %get3A_201] {strides = array<i32>} : memref<400x128xf32, #tpu.memory_space<vmem>>, vector<1x16xf32>,
          %get3A_203 = vector.shape_cast %get3A_202 : vector<1x16xf32> to vector<16xf32>
          %max3A_204 = arith.maximumf %get3A_199, %get3A_203 : vector<16xf32>
          %swap3A_205 = arith.index_cast %add3A_194 : i32 to index
          %swap3A_206 = tpu.vector_load %arg7[%swap3A_205] {strides = array<i32>} : memref<65536xf32, #tpu.memory_space<vmem>>, vector<16xf32>,
          %swap3A_207 = vector.shape_cast %swap3A_206 : vector<16xf32> to vector<16xf32>
          %swap3A_208 = vector.shape_cast %max3A_204 : vector<16xf32> to vector<16xf32>
          tpu.vector_store %arg7[%swap3A_205], %swap3A_208 {strides = array<i32>} : memref<65536xf32, #tpu.memory_space<vmem>>, vector<16xf32>,
          %slice3A_209 = vector.extract_strided_slice %get3A_56 {offsets = [2], sizes = [1], strides = [1]} : vector<16xi32> to vector<1xi32>
          %squeeze3A_210 = vector.extract %slice3A_209[0] : i32 from vector<1xi32>
          %mul3A_211 = arith.constant 16 : i32
          %mul3A_212 = arith.muli %scan3A_52, %mul3A_211 : i32
          %add3A_213 = arith.constant 2 : i32
          %add3A_214 = arith.addi %mul3A_212, %add3A_213 : i32
          %mul3A_215 = arith.constant 64 : i32
          %mul3A_216 = arith.muli %squeeze3A_210, %mul3A_215 : i32
          %add3A_217 = arith.constant 0 : i32
          %add3A_218 = arith.addi %mul3A_216, %add3A_217 : i32
          %add3A_219 = arith.constant 0 : i32
          %add3A_220 = arith.addi %mul3A_0, %add3A_219 : i32
          %get3A_221 = arith.index_cast %add3A_218 : i32 to index
          %get3A_222 = tpu.vector_load %arg7[%get3A_221] {strides = array<i32>} : memref<65536xf32, #tpu.memory_space<vmem>>, vector<16xf32>,
          %get3A_223 = vector.shape_cast %get3A_222 : vector<16xf32> to vector<16xf32>
          %get3A_224 = arith.index_cast %add3A_214 : i32 to index
          %get3A_225 = arith.index_cast %add3A_220 : i32 to index
          %get3A_226 = tpu.vector_load %arg5[%get3A_224, %get3A_225] {strides = array<i32>} : memref<400x128xf32, #tpu.memory_space<vmem>>, vector<1x16xf32>,
          %get3A_227 = vector.shape_cast %get3A_226 : vector<1x16xf32> to vector<16xf32>
          %max3A_228 = arith.maximumf %get3A_223, %get3A_227 : vector<16xf32>
          %swap3A_229 = arith.index_cast %add3A_218 : i32 to index
          %swap3A_230 = tpu.vector_load %arg7[%swap3A_229] {strides = array<i32>} : memref<65536xf32, #tpu.memory_space<vmem>>, vector<16xf32>,
          %swap3A_231 = vector.shape_cast %swap3A_230 : vector<16xf32> to vector<16xf32>
          %swap3A_232 = vector.shape_cast %max3A_228 : vector<16xf32> to vector<16xf32>
          tpu.vector_store %arg7[%swap3A_229], %swap3A_232 {strides = array<i32>} : memref<65536xf32, #tpu.memory_space<vmem>>, vector<16xf32>,
          %mul3A_233 = arith.constant 64 : i32
          %mul3A_234 = arith.muli %squeeze3A_210, %mul3A_233 : i32
          %add3A_235 = arith.constant 16 : i32
          %add3A_236 = arith.addi %mul3A_234, %add3A_235 : i32
          %add3A_237 = arith.constant 16 : i32
          %add3A_238 = arith.addi %mul3A_0, %add3A_237 : i32
          %get3A_239 = arith.index_cast %add3A_236 : i32 to index
          %get3A_240 = tpu.vector_load %arg7[%get3A_239] {strides = array<i32>} : memref<65536xf32, #tpu.memory_space<vmem>>, vector<16xf32>,
          %get3A_241 = vector.shape_cast %get3A_240 : vector<16xf32> to vector<16xf32>
          %get3A_242 = arith.index_cast %add3A_214 : i32 to index
          %get3A_243 = arith.index_cast %add3A_238 : i32 to index
          %get3A_244 = tpu.vector_load %arg5[%get3A_242, %get3A_243] {strides = array<i32>} : memref<400x128xf32, #tpu.memory_space<vmem>>, vector<1x16xf32>,
          %get3A_245 = vector.shape_cast %get3A_244 : vector<1x16xf32> to vector<16xf32>
          %max3A_246 = arith.maximumf %get3A_241, %get3A_245 : vector<16xf32>
          %swap3A_247 = arith.index_cast %add3A_236 : i32 to index
          %swap3A_248 = tpu.vector_load %arg7[%swap3A_247] {strides = array<i32>} : memref<65536xf32, #tpu.memory_space<vmem>>, vector<16xf32>,
          %swap3A_249 = vector.shape_cast %swap3A_248 : vector<16xf32> to vector<16xf32>
          %swap3A_250 = vector.shape_cast %max3A_246 : vector<16xf32> to vector<16xf32>
          tpu.vector_store %arg7[%swap3A_247], %swap3A_250 {strides = array<i32>} : memref<65536xf32, #tpu.memory_space<vmem>>, vector<16xf32>,
          %mul3A_251 = arith.constant 64 : i32
          %mul3A_252 = arith.muli %squeeze3A_210, %mul3A_251 : i32
          %add3A_253 = arith.constant 32 : i32
          %add3A_254 = arith.addi %mul3A_252, %add3A_253 : i32
          %add3A_255 = arith.constant 32 : i32
          %add3A_256 = arith.addi %mul3A_0, %add3A_255 : i32
          %get3A_257 = arith.index_cast %add3A_254 : i32 to index
          %get3A_258 = tpu.vector_load %arg7[%get3A_257] {strides = array<i32>} : memref<65536xf32, #tpu.memory_space<vmem>>, vector<16xf32>,
          %get3A_259 = vector.shape_cast %get3A_258 : vector<16xf32> to vector<16xf32>
          %get3A_260 = arith.index_cast %add3A_214 : i32 to index
          %get3A_261 = arith.index_cast %add3A_256 : i32 to index
          %get3A_262 = tpu.vector_load %arg5[%get3A_260, %get3A_261] {strides = array<i32>} : memref<400x128xf32, #tpu.memory_space<vmem>>, vector<1x16xf32>,
          %get3A_263 = vector.shape_cast %get3A_262 : vector<1x16xf32> to vector<16xf32>
          %max3A_264 = arith.maximumf %get3A_259, %get3A_263 : vector<16xf32>
          %swap3A_265 = arith.index_cast %add3A_254 : i32 to index
          %swap3A_266 = tpu.vector_load %arg7[%swap3A_265] {strides = array<i32>} : memref<65536xf32, #tpu.memory_space<vmem>>, vector<16xf32>,
          %swap3A_267 = vector.shape_cast %swap3A_266 : vector<16xf32> to vector<16xf32>
          %swap3A_268 = vector.shape_cast %max3A_264 : vector<16xf32> to vector<16xf32>
          tpu.vector_store %arg7[%swap3A_265], %swap3A_268 {strides = array<i32>} : memref<65536xf32, #tpu.memory_space<vmem>>, vector<16xf32>,
          %mul3A_269 = arith.constant 64 : i32
          %mul3A_270 = arith.muli %squeeze3A_210, %mul3A_269 : i32
          %add3A_271 = arith.constant 48 : i32
          %add3A_272 = arith.addi %mul3A_270, %add3A_271 : i32
          %add3A_273 = arith.constant 48 : i32
          %add3A_274 = arith.addi %mul3A_0, %add3A_273 : i32
          %get3A_275 = arith.index_cast %add3A_272 : i32 to index
          %get3A_276 = tpu.vector_load %arg7[%get3A_275] {strides = array<i32>} : memref<65536xf32, #tpu.memory_space<vmem>>, vector<16xf32>,
          %get3A_277 = vector.shape_cast %get3A_276 : vector<16xf32> to vector<16xf32>
          %get3A_278 = arith.index_cast %add3A_214 : i32 to index
          %get3A_279 = arith.index_cast %add3A_274 : i32 to index
          %get3A_280 = tpu.vector_load %arg5[%get3A_278, %get3A_279] {strides = array<i32>} : memref<400x128xf32, #tpu.memory_space<vmem>>, vector<1x16xf32>,
          %get3A_281 = vector.shape_cast %get3A_280 : vector<1x16xf32> to vector<16xf32>
          %max3A_282 = arith.maximumf %get3A_277, %get3A_281 : vector<16xf32>
          %swap3A_283 = arith.index_cast %add3A_272 : i32 to index
          %swap3A_284 = tpu.vector_load %arg7[%swap3A_283] {strides = array<i32>} : memref<65536xf32, #tpu.memory_space<vmem>>, vector<16xf32>,
          %swap3A_285 = vector.shape_cast %swap3A_284 : vector<16xf32> to vector<16xf32>
          %swap3A_286 = vector.shape_cast %max3A_282 : vector<16xf32> to vector<16xf32>
          tpu.vector_store %arg7[%swap3A_283], %swap3A_286 {strides = array<i32>} : memref<65536xf32, #tpu.memory_space<vmem>>, vector<16xf32>,
          %slice3A_287 = vector.extract_strided_slice %get3A_56 {offsets = [3], sizes = [1], strides = [1]} : vector<16xi32> to vector<1xi32>
          %squeeze3A_288 = vector.extract %slice3A_287[0] : i32 from vector<1xi32>
          %mul3A_289 = arith.constant 16 : i32
          %mul3A_290 = arith.muli %scan3A_52, %mul3A_289 : i32
          %add3A_291 = arith.constant 3 : i32
          %add3A_292 = arith.addi %mul3A_290, %add3A_291 : i32
          %mul3A_293 = arith.constant 64 : i32
          %mul3A_294 = arith.muli %squeeze3A_288, %mul3A_293 : i32
          %add3A_295 = arith.constant 0 : i32
          %add3A_296 = arith.addi %mul3A_294, %add3A_295 : i32
          %add3A_297 = arith.constant 0 : i32
          %add3A_298 = arith.addi %mul3A_0, %add3A_297 : i32
          %get3A_299 = arith.index_cast %add3A_296 : i32 to index
          %get3A_300 = tpu.vector_load %arg7[%get3A_299] {strides = array<i32>} : memref<65536xf32, #tpu.memory_space<vmem>>, vector<16xf32>,
          %get3A_301 = vector.shape_cast %get3A_300 : vector<16xf32> to vector<16xf32>
          %get3A_302 = arith.index_cast %add3A_292 : i32 to index
          %get3A_303 = arith.index_cast %add3A_298 : i32 to index
          %get3A_304 = tpu.vector_load %arg5[%get3A_302, %get3A_303] {strides = array<i32>} : memref<400x128xf32, #tpu.memory_space<vmem>>, vector<1x16xf32>,
          %get3A_305 = vector.shape_cast %get3A_304 : vector<1x16xf32> to vector<16xf32>
          %max3A_306 = arith.maximumf %get3A_301, %get3A_305 : vector<16xf32>
          %swap3A_307 = arith.index_cast %add3A_296 : i32 to index
          %swap3A_308 = tpu.vector_load %arg7[%swap3A_307] {strides = array<i32>} : memref<65536xf32, #tpu.memory_space<vmem>>, vector<16xf32>,
          %swap3A_309 = vector.shape_cast %swap3A_308 : vector<16xf32> to vector<16xf32>
          %swap3A_310 = vector.shape_cast %max3A_306 : vector<16xf32> to vector<16xf32>
          tpu.vector_store %arg7[%swap3A_307], %swap3A_310 {strides = array<i32>} : memref<65536xf32, #tpu.memory_space<vmem>>, vector<16xf32>,
          %mul3A_311 = arith.constant 64 : i32
          %mul3A_312 = arith.muli %squeeze3A_288, %mul3A_311 : i32
          %add3A_313 = arith.constant 16 : i32
          %add3A_314 = arith.addi %mul3A_312, %add3A_313 : i32
          %add3A_315 = arith.constant 16 : i32
          %add3A_316 = arith.addi %mul3A_0, %add3A_315 : i32
          %get3A_317 = arith.index_cast %add3A_314 : i32 to index
          %get3A_318 = tpu.vector_load %arg7[%get3A_317] {strides = array<i32>} : memref<65536xf32, #tpu.memory_space<vmem>>, vector<16xf32>,
          %get3A_319 = vector.shape_cast %get3A_318 : vector<16xf32> to vector<16xf32>
          %get3A_320 = arith.index_cast %add3A_292 : i32 to index
          %get3A_321 = arith.index_cast %add3A_316 : i32 to index
          %get3A_322 = tpu.vector_load %arg5[%get3A_320, %get3A_321] {strides = array<i32>} : memref<400x128xf32, #tpu.memory_space<vmem>>, vector<1x16xf32>,
          %get3A_323 = vector.shape_cast %get3A_322 : vector<1x16xf32> to vector<16xf32>
          %max3A_324 = arith.maximumf %get3A_319, %get3A_323 : vector<16xf32>
          %swap3A_325 = arith.index_cast %add3A_314 : i32 to index
          %swap3A_326 = tpu.vector_load %arg7[%swap3A_325] {strides = array<i32>} : memref<65536xf32, #tpu.memory_space<vmem>>, vector<16xf32>,
          %swap3A_327 = vector.shape_cast %swap3A_326 : vector<16xf32> to vector<16xf32>
          %swap3A_328 = vector.shape_cast %max3A_324 : vector<16xf32> to vector<16xf32>
          tpu.vector_store %arg7[%swap3A_325], %swap3A_328 {strides = array<i32>} : memref<65536xf32, #tpu.memory_space<vmem>>, vector<16xf32>,
          %mul3A_329 = arith.constant 64 : i32
          %mul3A_330 = arith.muli %squeeze3A_288, %mul3A_329 : i32
          %add3A_331 = arith.constant 32 : i32
          %add3A_332 = arith.addi %mul3A_330, %add3A_331 : i32
          %add3A_333 = arith.constant 32 : i32
          %add3A_334 = arith.addi %mul3A_0, %add3A_333 : i32
          %get3A_335 = arith.index_cast %add3A_332 : i32 to index
          %get3A_336 = tpu.vector_load %arg7[%get3A_335] {strides = array<i32>} : memref<65536xf32, #tpu.memory_space<vmem>>, vector<16xf32>,
          %get3A_337 = vector.shape_cast %get3A_336 : vector<16xf32> to vector<16xf32>
          %get3A_338 = arith.index_cast %add3A_292 : i32 to index
          %get3A_339 = arith.index_cast %add3A_334 : i32 to index
          %get3A_340 = tpu.vector_load %arg5[%get3A_338, %get3A_339] {strides = array<i32>} : memref<400x128xf32, #tpu.memory_space<vmem>>, vector<1x16xf32>,
          %get3A_341 = vector.shape_cast %get3A_340 : vector<1x16xf32> to vector<16xf32>
          %max3A_342 = arith.maximumf %get3A_337, %get3A_341 : vector<16xf32>
          %swap3A_343 = arith.index_cast %add3A_332 : i32 to index
          %swap3A_344 = tpu.vector_load %arg7[%swap3A_343] {strides = array<i32>} : memref<65536xf32, #tpu.memory_space<vmem>>, vector<16xf32>,
          %swap3A_345 = vector.shape_cast %swap3A_344 : vector<16xf32> to vector<16xf32>
          %swap3A_346 = vector.shape_cast %max3A_342 : vector<16xf32> to vector<16xf32>
          tpu.vector_store %arg7[%swap3A_343], %swap3A_346 {strides = array<i32>} : memref<65536xf32, #tpu.memory_space<vmem>>, vector<16xf32>,
          %mul3A_347 = arith.constant 64 : i32
          %mul3A_348 = arith.muli %squeeze3A_288, %mul3A_347 : i32
          %add3A_349 = arith.constant 48 : i32
          %add3A_350 = arith.addi %mul3A_348, %add3A_349 : i32
          %add3A_351 = arith.constant 48 : i32
          %add3A_352 = arith.addi %mul3A_0, %add3A_351 : i32
          %get3A_353 = arith.index_cast %add3A_350 : i32 to index
          %get3A_354 = tpu.vector_load %arg7[%get3A_353] {strides = array<i32>} : memref<65536xf32, #tpu.memory_space<vmem>>, vector<16xf32>,
          %get3A_355 = vector.shape_cast %get3A_354 : vector<16xf32> to vector<16xf32>
          %get3A_356 = arith.index_cast %add3A_292 : i32 to index
          %get3A_357 = arith.index_cast %add3A_352 : i32 to index
          %get3A_358 = tpu.vector_load %arg5[%get3A_356, %get3A_357] {strides = array<i32>} : memref<400x128xf32, #tpu.memory_space<vmem>>, vector<1x16xf32>,
          %get3A_359 = vector.shape_cast %get3A_358 : vector<1x16xf32> to vector<16xf32>
          %max3A_360 = arith.maximumf %get3A_355, %get3A_359 : vector<16xf32>
          %swap3A_361 = arith.index_cast %add3A_350 : i32 to index
          %swap3A_362 = tpu.vector_load %arg7[%swap3A_361] {strides = array<i32>} : memref<65536xf32, #tpu.memory_space<vmem>>, vector<16xf32>,
          %swap3A_363 = vector.shape_cast %swap3A_362 : vector<16xf32> to vector<16xf32>
          %swap3A_364 = vector.shape_cast %max3A_360 : vector<16xf32> to vector<16xf32>
          tpu.vector_store %arg7[%swap3A_361], %swap3A_364 {strides = array<i32>} : memref<65536xf32, #tpu.memory_space<vmem>>, vector<16xf32>,
          %slice3A_365 = vector.extract_strided_slice %get3A_56 {offsets = [4], sizes = [1], strides = [1]} : vector<16xi32> to vector<1xi32>
          %squeeze3A_366 = vector.extract %slice3A_365[0] : i32 from vector<1xi32>
          %mul3A_367 = arith.constant 16 : i32
          %mul3A_368 = arith.muli %scan3A_52, %mul3A_367 : i32
          %add3A_369 = arith.constant 4 : i32
          %add3A_370 = arith.addi %mul3A_368, %add3A_369 : i32
          %mul3A_371 = arith.constant 64 : i32
          %mul3A_372 = arith.muli %squeeze3A_366, %mul3A_371 : i32
          %add3A_373 = arith.constant 0 : i32
          %add3A_374 = arith.addi %mul3A_372, %add3A_373 : i32
          %add3A_375 = arith.constant 0 : i32
          %add3A_376 = arith.addi %mul3A_0, %add3A_375 : i32
          %get3A_377 = arith.index_cast %add3A_374 : i32 to index
          %get3A_378 = tpu.vector_load %arg7[%get3A_377] {strides = array<i32>} : memref<65536xf32, #tpu.memory_space<vmem>>, vector<16xf32>,
          %get3A_379 = vector.shape_cast %get3A_378 : vector<16xf32> to vector<16xf32>
          %get3A_380 = arith.index_cast %add3A_370 : i32 to index
          %get3A_381 = arith.index_cast %add3A_376 : i32 to index
          %get3A_382 = tpu.vector_load %arg5[%get3A_380, %get3A_381] {strides = array<i32>} : memref<400x128xf32, #tpu.memory_space<vmem>>, vector<1x16xf32>,
          %get3A_383 = vector.shape_cast %get3A_382 : vector<1x16xf32> to vector<16xf32>
          %max3A_384 = arith.maximumf %get3A_379, %get3A_383 : vector<16xf32>
          %swap3A_385 = arith.index_cast %add3A_374 : i32 to index
          %swap3A_386 = tpu.vector_load %arg7[%swap3A_385] {strides = array<i32>} : memref<65536xf32, #tpu.memory_space<vmem>>, vector<16xf32>,
          %swap3A_387 = vector.shape_cast %swap3A_386 : vector<16xf32> to vector<16xf32>
          %swap3A_388 = vector.shape_cast %max3A_384 : vector<16xf32> to vector<16xf32>
          tpu.vector_store %arg7[%swap3A_385], %swap3A_388 {strides = array<i32>} : memref<65536xf32, #tpu.memory_space<vmem>>, vector<16xf32>,
          %mul3A_389 = arith.constant 64 : i32
          %mul3A_390 = arith.muli %squeeze3A_366, %mul3A_389 : i32
          %add3A_391 = arith.constant 16 : i32
          %add3A_392 = arith.addi %mul3A_390, %add3A_391 : i32
          %add3A_393 = arith.constant 16 : i32
          %add3A_394 = arith.addi %mul3A_0, %add3A_393 : i32
          %get3A_395 = arith.index_cast %add3A_392 : i32 to index
          %get3A_396 = tpu.vector_load %arg7[%get3A_395] {strides = array<i32>} : memref<65536xf32, #tpu.memory_space<vmem>>, vector<16xf32>,
          %get3A_397 = vector.shape_cast %get3A_396 : vector<16xf32> to vector<16xf32>
          %get3A_398 = arith.index_cast %add3A_370 : i32 to index
          %get3A_399 = arith.index_cast %add3A_394 : i32 to index
          %get3A_400 = tpu.vector_load %arg5[%get3A_398, %get3A_399] {strides = array<i32>} : memref<400x128xf32, #tpu.memory_space<vmem>>, vector<1x16xf32>,
          %get3A_401 = vector.shape_cast %get3A_400 : vector<1x16xf32> to vector<16xf32>
          %max3A_402 = arith.maximumf %get3A_397, %get3A_401 : vector<16xf32>
          %swap3A_403 = arith.index_cast %add3A_392 : i32 to index
          %swap3A_404 = tpu.vector_load %arg7[%swap3A_403] {strides = array<i32>} : memref<65536xf32, #tpu.memory_space<vmem>>, vector<16xf32>,
          %swap3A_405 = vector.shape_cast %swap3A_404 : vector<16xf32> to vector<16xf32>
          %swap3A_406 = vector.shape_cast %max3A_402 : vector<16xf32> to vector<16xf32>
          tpu.vector_store %arg7[%swap3A_403], %swap3A_406 {strides = array<i32>} : memref<65536xf32, #tpu.memory_space<vmem>>, vector<16xf32>,
          %mul3A_407 = arith.constant 64 : i32
          %mul3A_408 = arith.muli %squeeze3A_366, %mul3A_407 : i32
          %add3A_409 = arith.constant 32 : i32
          %add3A_410 = arith.addi %mul3A_408, %add3A_409 : i32
          %add3A_411 = arith.constant 32 : i32
          %add3A_412 = arith.addi %mul3A_0, %add3A_411 : i32
          %get3A_413 = arith.index_cast %add3A_410 : i32 to index
          %get3A_414 = tpu.vector_load %arg7[%get3A_413] {strides = array<i32>} : memref<65536xf32, #tpu.memory_space<vmem>>, vector<16xf32>,
          %get3A_415 = vector.shape_cast %get3A_414 : vector<16xf32> to vector<16xf32>
          %get3A_416 = arith.index_cast %add3A_370 : i32 to index
          %get3A_417 = arith.index_cast %add3A_412 : i32 to index
          %get3A_418 = tpu.vector_load %arg5[%get3A_416, %get3A_417] {strides = array<i32>} : memref<400x128xf32, #tpu.memory_space<vmem>>, vector<1x16xf32>,
          %get3A_419 = vector.shape_cast %get3A_418 : vector<1x16xf32> to vector<16xf32>
          %max3A_420 = arith.maximumf %get3A_415, %get3A_419 : vector<16xf32>
          %swap3A_421 = arith.index_cast %add3A_410 : i32 to index
          %swap3A_422 = tpu.vector_load %arg7[%swap3A_421] {strides = array<i32>} : memref<65536xf32, #tpu.memory_space<vmem>>, vector<16xf32>,
          %swap3A_423 = vector.shape_cast %swap3A_422 : vector<16xf32> to vector<16xf32>
          %swap3A_424 = vector.shape_cast %max3A_420 : vector<16xf32> to vector<16xf32>
          tpu.vector_store %arg7[%swap3A_421], %swap3A_424 {strides = array<i32>} : memref<65536xf32, #tpu.memory_space<vmem>>, vector<16xf32>,
          %mul3A_425 = arith.constant 64 : i32
          %mul3A_426 = arith.muli %squeeze3A_366, %mul3A_425 : i32
          %add3A_427 = arith.constant 48 : i32
          %add3A_428 = arith.addi %mul3A_426, %add3A_427 : i32
          %add3A_429 = arith.constant 48 : i32
          %add3A_430 = arith.addi %mul3A_0, %add3A_429 : i32
          %get3A_431 = arith.index_cast %add3A_428 : i32 to index
          %get3A_432 = tpu.vector_load %arg7[%get3A_431] {strides = array<i32>} : memref<65536xf32, #tpu.memory_space<vmem>>, vector<16xf32>,
          %get3A_433 = vector.shape_cast %get3A_432 : vector<16xf32> to vector<16xf32>
          %get3A_434 = arith.index_cast %add3A_370 : i32 to index
          %get3A_435 = arith.index_cast %add3A_430 : i32 to index
          %get3A_436 = tpu.vector_load %arg5[%get3A_434, %get3A_435] {strides = array<i32>} : memref<400x128xf32, #tpu.memory_space<vmem>>, vector<1x16xf32>,
          %get3A_437 = vector.shape_cast %get3A_436 : vector<1x16xf32> to vector<16xf32>
          %max3A_438 = arith.maximumf %get3A_433, %get3A_437 : vector<16xf32>
          %swap3A_439 = arith.index_cast %add3A_428 : i32 to index
          %swap3A_440 = tpu.vector_load %arg7[%swap3A_439] {strides = array<i32>} : memref<65536xf32, #tpu.memory_space<vmem>>, vector<16xf32>,
          %swap3A_441 = vector.shape_cast %swap3A_440 : vector<16xf32> to vector<16xf32>
          %swap3A_442 = vector.shape_cast %max3A_438 : vector<16xf32> to vector<16xf32>
          tpu.vector_store %arg7[%swap3A_439], %swap3A_442 {strides = array<i32>} : memref<65536xf32, #tpu.memory_space<vmem>>, vector<16xf32>,
          %slice3A_443 = vector.extract_strided_slice %get3A_56 {offsets = [5], sizes = [1], strides = [1]} : vector<16xi32> to vector<1xi32>
          %squeeze3A_444 = vector.extract %slice3A_443[0] : i32 from vector<1xi32>
          %mul3A_445 = arith.constant 16 : i32
          %mul3A_446 = arith.muli %scan3A_52, %mul3A_445 : i32
          %add3A_447 = arith.constant 5 : i32
          %add3A_448 = arith.addi %mul3A_446, %add3A_447 : i32
          %mul3A_449 = arith.constant 64 : i32
          %mul3A_450 = arith.muli %squeeze3A_444, %mul3A_449 : i32
          %add3A_451 = arith.constant 0 : i32
          %add3A_452 = arith.addi %mul3A_450, %add3A_451 : i32
          %add3A_453 = arith.constant 0 : i32
          %add3A_454 = arith.addi %mul3A_0, %add3A_453 : i32
          %get3A_455 = arith.index_cast %add3A_452 : i32 to index
          %get3A_456 = tpu.vector_load %arg7[%get3A_455] {strides = array<i32>} : memref<65536xf32, #tpu.memory_space<vmem>>, vector<16xf32>,
          %get3A_457 = vector.shape_cast %get3A_456 : vector<16xf32> to vector<16xf32>
          %get3A_458 = arith.index_cast %add3A_448 : i32 to index
          %get3A_459 = arith.index_cast %add3A_454 : i32 to index
          %get3A_460 = tpu.vector_load %arg5[%get3A_458, %get3A_459] {strides = array<i32>} : memref<400x128xf32, #tpu.memory_space<vmem>>, vector<1x16xf32>,
          %get3A_461 = vector.shape_cast %get3A_460 : vector<1x16xf32> to vector<16xf32>
          %max3A_462 = arith.maximumf %get3A_457, %get3A_461 : vector<16xf32>
          %swap3A_463 = arith.index_cast %add3A_452 : i32 to index
          %swap3A_464 = tpu.vector_load %arg7[%swap3A_463] {strides = array<i32>} : memref<65536xf32, #tpu.memory_space<vmem>>, vector<16xf32>,
          %swap3A_465 = vector.shape_cast %swap3A_464 : vector<16xf32> to vector<16xf32>
          %swap3A_466 = vector.shape_cast %max3A_462 : vector<16xf32> to vector<16xf32>
          tpu.vector_store %arg7[%swap3A_463], %swap3A_466 {strides = array<i32>} : memref<65536xf32, #tpu.memory_space<vmem>>, vector<16xf32>,
          %mul3A_467 = arith.constant 64 : i32
          %mul3A_468 = arith.muli %squeeze3A_444, %mul3A_467 : i32
          %add3A_469 = arith.constant 16 : i32
          %add3A_470 = arith.addi %mul3A_468, %add3A_469 : i32
          %add3A_471 = arith.constant 16 : i32
          %add3A_472 = arith.addi %mul3A_0, %add3A_471 : i32
          %get3A_473 = arith.index_cast %add3A_470 : i32 to index
          %get3A_474 = tpu.vector_load %arg7[%get3A_473] {strides = array<i32>} : memref<65536xf32, #tpu.memory_space<vmem>>, vector<16xf32>,
          %get3A_475 = vector.shape_cast %get3A_474 : vector<16xf32> to vector<16xf32>
          %get3A_476 = arith.index_cast %add3A_448 : i32 to index
          %get3A_477 = arith.index_cast %add3A_472 : i32 to index
          %get3A_478 = tpu.vector_load %arg5[%get3A_476, %get3A_477] {strides = array<i32>} : memref<400x128xf32, #tpu.memory_space<vmem>>, vector<1x16xf32>,
          %get3A_479 = vector.shape_cast %get3A_478 : vector<1x16xf32> to vector<16xf32>
          %max3A_480 = arith.maximumf %get3A_475, %get3A_479 : vector<16xf32>
          %swap3A_481 = arith.index_cast %add3A_470 : i32 to index
          %swap3A_482 = tpu.vector_load %arg7[%swap3A_481] {strides = array<i32>} : memref<65536xf32, #tpu.memory_space<vmem>>, vector<16xf32>,
          %swap3A_483 = vector.shape_cast %swap3A_482 : vector<16xf32> to vector<16xf32>
          %swap3A_484 = vector.shape_cast %max3A_480 : vector<16xf32> to vector<16xf32>
          tpu.vector_store %arg7[%swap3A_481], %swap3A_484 {strides = array<i32>} : memref<65536xf32, #tpu.memory_space<vmem>>, vector<16xf32>,
          %mul3A_485 = arith.constant 64 : i32
          %mul3A_486 = arith.muli %squeeze3A_444, %mul3A_485 : i32
          %add3A_487 = arith.constant 32 : i32
          %add3A_488 = arith.addi %mul3A_486, %add3A_487 : i32
          %add3A_489 = arith.constant 32 : i32
          %add3A_490 = arith.addi %mul3A_0, %add3A_489 : i32
          %get3A_491 = arith.index_cast %add3A_488 : i32 to index
          %get3A_492 = tpu.vector_load %arg7[%get3A_491] {strides = array<i32>} : memref<65536xf32, #tpu.memory_space<vmem>>, vector<16xf32>,
          %get3A_493 = vector.shape_cast %get3A_492 : vector<16xf32> to vector<16xf32>
          %get3A_494 = arith.index_cast %add3A_448 : i32 to index
          %get3A_495 = arith.index_cast %add3A_490 : i32 to index
          %get3A_496 = tpu.vector_load %arg5[%get3A_494, %get3A_495] {strides = array<i32>} : memref<400x128xf32, #tpu.memory_space<vmem>>, vector<1x16xf32>,
          %get3A_497 = vector.shape_cast %get3A_496 : vector<1x16xf32> to vector<16xf32>
          %max3A_498 = arith.maximumf %get3A_493, %get3A_497 : vector<16xf32>
          %swap3A_499 = arith.index_cast %add3A_488 : i32 to index
          %swap3A_500 = tpu.vector_load %arg7[%swap3A_499] {strides = array<i32>} : memref<65536xf32, #tpu.memory_space<vmem>>, vector<16xf32>,
          %swap3A_501 = vector.shape_cast %swap3A_500 : vector<16xf32> to vector<16xf32>
          %swap3A_502 = vector.shape_cast %max3A_498 : vector<16xf32> to vector<16xf32>
          tpu.vector_store %arg7[%swap3A_499], %swap3A_502 {strides = array<i32>} : memref<65536xf32, #tpu.memory_space<vmem>>, vector<16xf32>,
          %mul3A_503 = arith.constant 64 : i32
          %mul3A_504 = arith.muli %squeeze3A_444, %mul3A_503 : i32
          %add3A_505 = arith.constant 48 : i32
          %add3A_506 = arith.addi %mul3A_504, %add3A_505 : i32
          %add3A_507 = arith.constant 48 : i32
          %add3A_508 = arith.addi %mul3A_0, %add3A_507 : i32
          %get3A_509 = arith.index_cast %add3A_506 : i32 to index
          %get3A_510 = tpu.vector_load %arg7[%get3A_509] {strides = array<i32>} : memref<65536xf32, #tpu.memory_space<vmem>>, vector<16xf32>,
          %get3A_511 = vector.shape_cast %get3A_510 : vector<16xf32> to vector<16xf32>
          %get3A_512 = arith.index_cast %add3A_448 : i32 to index
          %get3A_513 = arith.index_cast %add3A_508 : i32 to index
          %get3A_514 = tpu.vector_load %arg5[%get3A_512, %get3A_513] {strides = array<i32>} : memref<400x128xf32, #tpu.memory_space<vmem>>, vector<1x16xf32>,
          %get3A_515 = vector.shape_cast %get3A_514 : vector<1x16xf32> to vector<16xf32>
          %max3A_516 = arith.maximumf %get3A_511, %get3A_515 : vector<16xf32>
          %swap3A_517 = arith.index_cast %add3A_506 : i32 to index
          %swap3A_518 = tpu.vector_load %arg7[%swap3A_517] {strides = array<i32>} : memref<65536xf32, #tpu.memory_space<vmem>>, vector<16xf32>,
          %swap3A_519 = vector.shape_cast %swap3A_518 : vector<16xf32> to vector<16xf32>
          %swap3A_520 = vector.shape_cast %max3A_516 : vector<16xf32> to vector<16xf32>
          tpu.vector_store %arg7[%swap3A_517], %swap3A_520 {strides = array<i32>} : memref<65536xf32, #tpu.memory_space<vmem>>, vector<16xf32>,
          %slice3A_521 = vector.extract_strided_slice %get3A_56 {offsets = [6], sizes = [1], strides = [1]} : vector<16xi32> to vector<1xi32>
          %squeeze3A_522 = vector.extract %slice3A_521[0] : i32 from vector<1xi32>
          %mul3A_523 = arith.constant 16 : i32
          %mul3A_524 = arith.muli %scan3A_52, %mul3A_523 : i32
          %add3A_525 = arith.constant 6 : i32
          %add3A_526 = arith.addi %mul3A_524, %add3A_525 : i32
          %mul3A_527 = arith.constant 64 : i32
          %mul3A_528 = arith.muli %squeeze3A_522, %mul3A_527 : i32
          %add3A_529 = arith.constant 0 : i32
          %add3A_530 = arith.addi %mul3A_528, %add3A_529 : i32
          %add3A_531 = arith.constant 0 : i32
          %add3A_532 = arith.addi %mul3A_0, %add3A_531 : i32
          %get3A_533 = arith.index_cast %add3A_530 : i32 to index
          %get3A_534 = tpu.vector_load %arg7[%get3A_533] {strides = array<i32>} : memref<65536xf32, #tpu.memory_space<vmem>>, vector<16xf32>,
          %get3A_535 = vector.shape_cast %get3A_534 : vector<16xf32> to vector<16xf32>
          %get3A_536 = arith.index_cast %add3A_526 : i32 to index
          %get3A_537 = arith.index_cast %add3A_532 : i32 to index
          %get3A_538 = tpu.vector_load %arg5[%get3A_536, %get3A_537] {strides = array<i32>} : memref<400x128xf32, #tpu.memory_space<vmem>>, vector<1x16xf32>,
          %get3A_539 = vector.shape_cast %get3A_538 : vector<1x16xf32> to vector<16xf32>
          %max3A_540 = arith.maximumf %get3A_535, %get3A_539 : vector<16xf32>
          %swap3A_541 = arith.index_cast %add3A_530 : i32 to index
          %swap3A_542 = tpu.vector_load %arg7[%swap3A_541] {strides = array<i32>} : memref<65536xf32, #tpu.memory_space<vmem>>, vector<16xf32>,
          %swap3A_543 = vector.shape_cast %swap3A_542 : vector<16xf32> to vector<16xf32>
          %swap3A_544 = vector.shape_cast %max3A_540 : vector<16xf32> to vector<16xf32>
          tpu.vector_store %arg7[%swap3A_541], %swap3A_544 {strides = array<i32>} : memref<65536xf32, #tpu.memory_space<vmem>>, vector<16xf32>,
          %mul3A_545 = arith.constant 64 : i32
          %mul3A_546 = arith.muli %squeeze3A_522, %mul3A_545 : i32
          %add3A_547 = arith.constant 16 : i32
          %add3A_548 = arith.addi %mul3A_546, %add3A_547 : i32
          %add3A_549 = arith.constant 16 : i32
          %add3A_550 = arith.addi %mul3A_0, %add3A_549 : i32
          %get3A_551 = arith.index_cast %add3A_548 : i32 to index
          %get3A_552 = tpu.vector_load %arg7[%get3A_551] {strides = array<i32>} : memref<65536xf32, #tpu.memory_space<vmem>>, vector<16xf32>,
          %get3A_553 = vector.shape_cast %get3A_552 : vector<16xf32> to vector<16xf32>
          %get3A_554 = arith.index_cast %add3A_526 : i32 to index
          %get3A_555 = arith.index_cast %add3A_550 : i32 to index
          %get3A_556 = tpu.vector_load %arg5[%get3A_554, %get3A_555] {strides = array<i32>} : memref<400x128xf32, #tpu.memory_space<vmem>>, vector<1x16xf32>,
          %get3A_557 = vector.shape_cast %get3A_556 : vector<1x16xf32> to vector<16xf32>
          %max3A_558 = arith.maximumf %get3A_553, %get3A_557 : vector<16xf32>
          %swap3A_559 = arith.index_cast %add3A_548 : i32 to index
          %swap3A_560 = tpu.vector_load %arg7[%swap3A_559] {strides = array<i32>} : memref<65536xf32, #tpu.memory_space<vmem>>, vector<16xf32>,
          %swap3A_561 = vector.shape_cast %swap3A_560 : vector<16xf32> to vector<16xf32>
          %swap3A_562 = vector.shape_cast %max3A_558 : vector<16xf32> to vector<16xf32>
          tpu.vector_store %arg7[%swap3A_559], %swap3A_562 {strides = array<i32>} : memref<65536xf32, #tpu.memory_space<vmem>>, vector<16xf32>,
          %mul3A_563 = arith.constant 64 : i32
          %mul3A_564 = arith.muli %squeeze3A_522, %mul3A_563 : i32
          %add3A_565 = arith.constant 32 : i32
          %add3A_566 = arith.addi %mul3A_564, %add3A_565 : i32
          %add3A_567 = arith.constant 32 : i32
          %add3A_568 = arith.addi %mul3A_0, %add3A_567 : i32
          %get3A_569 = arith.index_cast %add3A_566 : i32 to index
          %get3A_570 = tpu.vector_load %arg7[%get3A_569] {strides = array<i32>} : memref<65536xf32, #tpu.memory_space<vmem>>, vector<16xf32>,
          %get3A_571 = vector.shape_cast %get3A_570 : vector<16xf32> to vector<16xf32>
          %get3A_572 = arith.index_cast %add3A_526 : i32 to index
          %get3A_573 = arith.index_cast %add3A_568 : i32 to index
          %get3A_574 = tpu.vector_load %arg5[%get3A_572, %get3A_573] {strides = array<i32>} : memref<400x128xf32, #tpu.memory_space<vmem>>, vector<1x16xf32>,
          %get3A_575 = vector.shape_cast %get3A_574 : vector<1x16xf32> to vector<16xf32>
          %max3A_576 = arith.maximumf %get3A_571, %get3A_575 : vector<16xf32>
          %swap3A_577 = arith.index_cast %add3A_566 : i32 to index
          %swap3A_578 = tpu.vector_load %arg7[%swap3A_577] {strides = array<i32>} : memref<65536xf32, #tpu.memory_space<vmem>>, vector<16xf32>,
          %swap3A_579 = vector.shape_cast %swap3A_578 : vector<16xf32> to vector<16xf32>
          %swap3A_580 = vector.shape_cast %max3A_576 : vector<16xf32> to vector<16xf32>
          tpu.vector_store %arg7[%swap3A_577], %swap3A_580 {strides = array<i32>} : memref<65536xf32, #tpu.memory_space<vmem>>, vector<16xf32>,
          %mul3A_581 = arith.constant 64 : i32
          %mul3A_582 = arith.muli %squeeze3A_522, %mul3A_581 : i32
          %add3A_583 = arith.constant 48 : i32
          %add3A_584 = arith.addi %mul3A_582, %add3A_583 : i32
          %add3A_585 = arith.constant 48 : i32
          %add3A_586 = arith.addi %mul3A_0, %add3A_585 : i32
          %get3A_587 = arith.index_cast %add3A_584 : i32 to index
          %get3A_588 = tpu.vector_load %arg7[%get3A_587] {strides = array<i32>} : memref<65536xf32, #tpu.memory_space<vmem>>, vector<16xf32>,
          %get3A_589 = vector.shape_cast %get3A_588 : vector<16xf32> to vector<16xf32>
          %get3A_590 = arith.index_cast %add3A_526 : i32 to index
          %get3A_591 = arith.index_cast %add3A_586 : i32 to index
          %get3A_592 = tpu.vector_load %arg5[%get3A_590, %get3A_591] {strides = array<i32>} : memref<400x128xf32, #tpu.memory_space<vmem>>, vector<1x16xf32>,
          %get3A_593 = vector.shape_cast %get3A_592 : vector<1x16xf32> to vector<16xf32>
          %max3A_594 = arith.maximumf %get3A_589, %get3A_593 : vector<16xf32>
          %swap3A_595 = arith.index_cast %add3A_584 : i32 to index
          %swap3A_596 = tpu.vector_load %arg7[%swap3A_595] {strides = array<i32>} : memref<65536xf32, #tpu.memory_space<vmem>>, vector<16xf32>,
          %swap3A_597 = vector.shape_cast %swap3A_596 : vector<16xf32> to vector<16xf32>
          %swap3A_598 = vector.shape_cast %max3A_594 : vector<16xf32> to vector<16xf32>
          tpu.vector_store %arg7[%swap3A_595], %swap3A_598 {strides = array<i32>} : memref<65536xf32, #tpu.memory_space<vmem>>, vector<16xf32>,
          %slice3A_599 = vector.extract_strided_slice %get3A_56 {offsets = [7], sizes = [1], strides = [1]} : vector<16xi32> to vector<1xi32>
          %squeeze3A_600 = vector.extract %slice3A_599[0] : i32 from vector<1xi32>
          %mul3A_601 = arith.constant 16 : i32
          %mul3A_602 = arith.muli %scan3A_52, %mul3A_601 : i32
          %add3A_603 = arith.constant 7 : i32
          %add3A_604 = arith.addi %mul3A_602, %add3A_603 : i32
          %mul3A_605 = arith.constant 64 : i32
          %mul3A_606 = arith.muli %squeeze3A_600, %mul3A_605 : i32
          %add3A_607 = arith.constant 0 : i32
          %add3A_608 = arith.addi %mul3A_606, %add3A_607 : i32
          %add3A_609 = arith.constant 0 : i32
          %add3A_610 = arith.addi %mul3A_0, %add3A_609 : i32
          %get3A_611 = arith.index_cast %add3A_608 : i32 to index
          %get3A_612 = tpu.vector_load %arg7[%get3A_611] {strides = array<i32>} : memref<65536xf32, #tpu.memory_space<vmem>>, vector<16xf32>,
          %get3A_613 = vector.shape_cast %get3A_612 : vector<16xf32> to vector<16xf32>
          %get3A_614 = arith.index_cast %add3A_604 : i32 to index
          %get3A_615 = arith.index_cast %add3A_610 : i32 to index
          %get3A_616 = tpu.vector_load %arg5[%get3A_614, %get3A_615] {strides = array<i32>} : memref<400x128xf32, #tpu.memory_space<vmem>>, vector<1x16xf32>,
          %get3A_617 = vector.shape_cast %get3A_616 : vector<1x16xf32> to vector<16xf32>
          %max3A_618 = arith.maximumf %get3A_613, %get3A_617 : vector<16xf32>
          %swap3A_619 = arith.index_cast %add3A_608 : i32 to index
          %swap3A_620 = tpu.vector_load %arg7[%swap3A_619] {strides = array<i32>} : memref<65536xf32, #tpu.memory_space<vmem>>, vector<16xf32>,
          %swap3A_621 = vector.shape_cast %swap3A_620 : vector<16xf32> to vector<16xf32>
          %swap3A_622 = vector.shape_cast %max3A_618 : vector<16xf32> to vector<16xf32>
          tpu.vector_store %arg7[%swap3A_619], %swap3A_622 {strides = array<i32>} : memref<65536xf32, #tpu.memory_space<vmem>>, vector<16xf32>,
          %mul3A_623 = arith.constant 64 : i32
          %mul3A_624 = arith.muli %squeeze3A_600, %mul3A_623 : i32
          %add3A_625 = arith.constant 16 : i32
          %add3A_626 = arith.addi %mul3A_624, %add3A_625 : i32
          %add3A_627 = arith.constant 16 : i32
          %add3A_628 = arith.addi %mul3A_0, %add3A_627 : i32
          %get3A_629 = arith.index_cast %add3A_626 : i32 to index
          %get3A_630 = tpu.vector_load %arg7[%get3A_629] {strides = array<i32>} : memref<65536xf32, #tpu.memory_space<vmem>>, vector<16xf32>,
          %get3A_631 = vector.shape_cast %get3A_630 : vector<16xf32> to vector<16xf32>
          %get3A_632 = arith.index_cast %add3A_604 : i32 to index
          %get3A_633 = arith.index_cast %add3A_628 : i32 to index
          %get3A_634 = tpu.vector_load %arg5[%get3A_632, %get3A_633] {strides = array<i32>} : memref<400x128xf32, #tpu.memory_space<vmem>>, vector<1x16xf32>,
          %get3A_635 = vector.shape_cast %get3A_634 : vector<1x16xf32> to vector<16xf32>
          %max3A_636 = arith.maximumf %get3A_631, %get3A_635 : vector<16xf32>
          %swap3A_637 = arith.index_cast %add3A_626 : i32 to index
          %swap3A_638 = tpu.vector_load %arg7[%swap3A_637] {strides = array<i32>} : memref<65536xf32, #tpu.memory_space<vmem>>, vector<16xf32>,
          %swap3A_639 = vector.shape_cast %swap3A_638 : vector<16xf32> to vector<16xf32>
          %swap3A_640 = vector.shape_cast %max3A_636 : vector<16xf32> to vector<16xf32>
          tpu.vector_store %arg7[%swap3A_637], %swap3A_640 {strides = array<i32>} : memref<65536xf32, #tpu.memory_space<vmem>>, vector<16xf32>,
          %mul3A_641 = arith.constant 64 : i32
          %mul3A_642 = arith.muli %squeeze3A_600, %mul3A_641 : i32
          %add3A_643 = arith.constant 32 : i32
          %add3A_644 = arith.addi %mul3A_642, %add3A_643 : i32
          %add3A_645 = arith.constant 32 : i32
          %add3A_646 = arith.addi %mul3A_0, %add3A_645 : i32
          %get3A_647 = arith.index_cast %add3A_644 : i32 to index
          %get3A_648 = tpu.vector_load %arg7[%get3A_647] {strides = array<i32>} : memref<65536xf32, #tpu.memory_space<vmem>>, vector<16xf32>,
          %get3A_649 = vector.shape_cast %get3A_648 : vector<16xf32> to vector<16xf32>
          %get3A_650 = arith.index_cast %add3A_604 : i32 to index
          %get3A_651 = arith.index_cast %add3A_646 : i32 to index
          %get3A_652 = tpu.vector_load %arg5[%get3A_650, %get3A_651] {strides = array<i32>} : memref<400x128xf32, #tpu.memory_space<vmem>>, vector<1x16xf32>,
          %get3A_653 = vector.shape_cast %get3A_652 : vector<1x16xf32> to vector<16xf32>
          %max3A_654 = arith.maximumf %get3A_649, %get3A_653 : vector<16xf32>
          %swap3A_655 = arith.index_cast %add3A_644 : i32 to index
          %swap3A_656 = tpu.vector_load %arg7[%swap3A_655] {strides = array<i32>} : memref<65536xf32, #tpu.memory_space<vmem>>, vector<16xf32>,
          %swap3A_657 = vector.shape_cast %swap3A_656 : vector<16xf32> to vector<16xf32>
          %swap3A_658 = vector.shape_cast %max3A_654 : vector<16xf32> to vector<16xf32>
          tpu.vector_store %arg7[%swap3A_655], %swap3A_658 {strides = array<i32>} : memref<65536xf32, #tpu.memory_space<vmem>>, vector<16xf32>,
          %mul3A_659 = arith.constant 64 : i32
          %mul3A_660 = arith.muli %squeeze3A_600, %mul3A_659 : i32
          %add3A_661 = arith.constant 48 : i32
          %add3A_662 = arith.addi %mul3A_660, %add3A_661 : i32
          %add3A_663 = arith.constant 48 : i32
          %add3A_664 = arith.addi %mul3A_0, %add3A_663 : i32
          %get3A_665 = arith.index_cast %add3A_662 : i32 to index
          %get3A_666 = tpu.vector_load %arg7[%get3A_665] {strides = array<i32>} : memref<65536xf32, #tpu.memory_space<vmem>>, vector<16xf32>,
          %get3A_667 = vector.shape_cast %get3A_666 : vector<16xf32> to vector<16xf32>
          %get3A_668 = arith.index_cast %add3A_604 : i32 to index
          %get3A_669 = arith.index_cast %add3A_664 : i32 to index
          %get3A_670 = tpu.vector_load %arg5[%get3A_668, %get3A_669] {strides = array<i32>} : memref<400x128xf32, #tpu.memory_space<vmem>>, vector<1x16xf32>,
          %get3A_671 = vector.shape_cast %get3A_670 : vector<1x16xf32> to vector<16xf32>
          %max3A_672 = arith.maximumf %get3A_667, %get3A_671 : vector<16xf32>
          %swap3A_673 = arith.index_cast %add3A_662 : i32 to index
          %swap3A_674 = tpu.vector_load %arg7[%swap3A_673] {strides = array<i32>} : memref<65536xf32, #tpu.memory_space<vmem>>, vector<16xf32>,
          %swap3A_675 = vector.shape_cast %swap3A_674 : vector<16xf32> to vector<16xf32>
          %swap3A_676 = vector.shape_cast %max3A_672 : vector<16xf32> to vector<16xf32>
          tpu.vector_store %arg7[%swap3A_673], %swap3A_676 {strides = array<i32>} : memref<65536xf32, #tpu.memory_space<vmem>>, vector<16xf32>,
          %slice3A_677 = vector.extract_strided_slice %get3A_56 {offsets = [8], sizes = [1], strides = [1]} : vector<16xi32> to vector<1xi32>
          %squeeze3A_678 = vector.extract %slice3A_677[0] : i32 from vector<1xi32>
          %mul3A_679 = arith.constant 16 : i32
          %mul3A_680 = arith.muli %scan3A_52, %mul3A_679 : i32
          %add3A_681 = arith.constant 8 : i32
          %add3A_682 = arith.addi %mul3A_680, %add3A_681 : i32
          %mul3A_683 = arith.constant 64 : i32
          %mul3A_684 = arith.muli %squeeze3A_678, %mul3A_683 : i32
          %add3A_685 = arith.constant 0 : i32
          %add3A_686 = arith.addi %mul3A_684, %add3A_685 : i32
          %add3A_687 = arith.constant 0 : i32
          %add3A_688 = arith.addi %mul3A_0, %add3A_687 : i32
          %get3A_689 = arith.index_cast %add3A_686 : i32 to index
          %get3A_690 = tpu.vector_load %arg7[%get3A_689] {strides = array<i32>} : memref<65536xf32, #tpu.memory_space<vmem>>, vector<16xf32>,
          %get3A_691 = vector.shape_cast %get3A_690 : vector<16xf32> to vector<16xf32>
          %get3A_692 = arith.index_cast %add3A_682 : i32 to index
          %get3A_693 = arith.index_cast %add3A_688 : i32 to index
          %get3A_694 = tpu.vector_load %arg5[%get3A_692, %get3A_693] {strides = array<i32>} : memref<400x128xf32, #tpu.memory_space<vmem>>, vector<1x16xf32>,
          %get3A_695 = vector.shape_cast %get3A_694 : vector<1x16xf32> to vector<16xf32>
          %max3A_696 = arith.maximumf %get3A_691, %get3A_695 : vector<16xf32>
          %swap3A_697 = arith.index_cast %add3A_686 : i32 to index
          %swap3A_698 = tpu.vector_load %arg7[%swap3A_697] {strides = array<i32>} : memref<65536xf32, #tpu.memory_space<vmem>>, vector<16xf32>,
          %swap3A_699 = vector.shape_cast %swap3A_698 : vector<16xf32> to vector<16xf32>
          %swap3A_700 = vector.shape_cast %max3A_696 : vector<16xf32> to vector<16xf32>
          tpu.vector_store %arg7[%swap3A_697], %swap3A_700 {strides = array<i32>} : memref<65536xf32, #tpu.memory_space<vmem>>, vector<16xf32>,
          %mul3A_701 = arith.constant 64 : i32
          %mul3A_702 = arith.muli %squeeze3A_678, %mul3A_701 : i32
          %add3A_703 = arith.constant 16 : i32
          %add3A_704 = arith.addi %mul3A_702, %add3A_703 : i32
          %add3A_705 = arith.constant 16 : i32
          %add3A_706 = arith.addi %mul3A_0, %add3A_705 : i32
          %get3A_707 = arith.index_cast %add3A_704 : i32 to index
          %get3A_708 = tpu.vector_load %arg7[%get3A_707] {strides = array<i32>} : memref<65536xf32, #tpu.memory_space<vmem>>, vector<16xf32>,
          %get3A_709 = vector.shape_cast %get3A_708 : vector<16xf32> to vector<16xf32>
          %get3A_710 = arith.index_cast %add3A_682 : i32 to index
          %get3A_711 = arith.index_cast %add3A_706 : i32 to index
          %get3A_712 = tpu.vector_load %arg5[%get3A_710, %get3A_711] {strides = array<i32>} : memref<400x128xf32, #tpu.memory_space<vmem>>, vector<1x16xf32>,
          %get3A_713 = vector.shape_cast %get3A_712 : vector<1x16xf32> to vector<16xf32>
          %max3A_714 = arith.maximumf %get3A_709, %get3A_713 : vector<16xf32>
          %swap3A_715 = arith.index_cast %add3A_704 : i32 to index
          %swap3A_716 = tpu.vector_load %arg7[%swap3A_715] {strides = array<i32>} : memref<65536xf32, #tpu.memory_space<vmem>>, vector<16xf32>,
          %swap3A_717 = vector.shape_cast %swap3A_716 : vector<16xf32> to vector<16xf32>
          %swap3A_718 = vector.shape_cast %max3A_714 : vector<16xf32> to vector<16xf32>
          tpu.vector_store %arg7[%swap3A_715], %swap3A_718 {strides = array<i32>} : memref<65536xf32, #tpu.memory_space<vmem>>, vector<16xf32>,
          %mul3A_719 = arith.constant 64 : i32
          %mul3A_720 = arith.muli %squeeze3A_678, %mul3A_719 : i32
          %add3A_721 = arith.constant 32 : i32
          %add3A_722 = arith.addi %mul3A_720, %add3A_721 : i32
          %add3A_723 = arith.constant 32 : i32
          %add3A_724 = arith.addi %mul3A_0, %add3A_723 : i32
          %get3A_725 = arith.index_cast %add3A_722 : i32 to index
          %get3A_726 = tpu.vector_load %arg7[%get3A_725] {strides = array<i32>} : memref<65536xf32, #tpu.memory_space<vmem>>, vector<16xf32>,
          %get3A_727 = vector.shape_cast %get3A_726 : vector<16xf32> to vector<16xf32>
          %get3A_728 = arith.index_cast %add3A_682 : i32 to index
          %get3A_729 = arith.index_cast %add3A_724 : i32 to index
          %get3A_730 = tpu.vector_load %arg5[%get3A_728, %get3A_729] {strides = array<i32>} : memref<400x128xf32, #tpu.memory_space<vmem>>, vector<1x16xf32>,
          %get3A_731 = vector.shape_cast %get3A_730 : vector<1x16xf32> to vector<16xf32>
          %max3A_732 = arith.maximumf %get3A_727, %get3A_731 : vector<16xf32>
          %swap3A_733 = arith.index_cast %add3A_722 : i32 to index
          %swap3A_734 = tpu.vector_load %arg7[%swap3A_733] {strides = array<i32>} : memref<65536xf32, #tpu.memory_space<vmem>>, vector<16xf32>,
          %swap3A_735 = vector.shape_cast %swap3A_734 : vector<16xf32> to vector<16xf32>
          %swap3A_736 = vector.shape_cast %max3A_732 : vector<16xf32> to vector<16xf32>
          tpu.vector_store %arg7[%swap3A_733], %swap3A_736 {strides = array<i32>} : memref<65536xf32, #tpu.memory_space<vmem>>, vector<16xf32>,
          %mul3A_737 = arith.constant 64 : i32
          %mul3A_738 = arith.muli %squeeze3A_678, %mul3A_737 : i32
          %add3A_739 = arith.constant 48 : i32
          %add3A_740 = arith.addi %mul3A_738, %add3A_739 : i32
          %add3A_741 = arith.constant 48 : i32
          %add3A_742 = arith.addi %mul3A_0, %add3A_741 : i32
          %get3A_743 = arith.index_cast %add3A_740 : i32 to index
          %get3A_744 = tpu.vector_load %arg7[%get3A_743] {strides = array<i32>} : memref<65536xf32, #tpu.memory_space<vmem>>, vector<16xf32>,
          %get3A_745 = vector.shape_cast %get3A_744 : vector<16xf32> to vector<16xf32>
          %get3A_746 = arith.index_cast %add3A_682 : i32 to index
          %get3A_747 = arith.index_cast %add3A_742 : i32 to index
          %get3A_748 = tpu.vector_load %arg5[%get3A_746, %get3A_747] {strides = array<i32>} : memref<400x128xf32, #tpu.memory_space<vmem>>, vector<1x16xf32>,
          %get3A_749 = vector.shape_cast %get3A_748 : vector<1x16xf32> to vector<16xf32>
          %max3A_750 = arith.maximumf %get3A_745, %get3A_749 : vector<16xf32>
          %swap3A_751 = arith.index_cast %add3A_740 : i32 to index
          %swap3A_752 = tpu.vector_load %arg7[%swap3A_751] {strides = array<i32>} : memref<65536xf32, #tpu.memory_space<vmem>>, vector<16xf32>,
          %swap3A_753 = vector.shape_cast %swap3A_752 : vector<16xf32> to vector<16xf32>
          %swap3A_754 = vector.shape_cast %max3A_750 : vector<16xf32> to vector<16xf32>
          tpu.vector_store %arg7[%swap3A_751], %swap3A_754 {strides = array<i32>} : memref<65536xf32, #tpu.memory_space<vmem>>, vector<16xf32>,
          %slice3A_755 = vector.extract_strided_slice %get3A_56 {offsets = [9], sizes = [1], strides = [1]} : vector<16xi32> to vector<1xi32>
          %squeeze3A_756 = vector.extract %slice3A_755[0] : i32 from vector<1xi32>
          %mul3A_757 = arith.constant 16 : i32
          %mul3A_758 = arith.muli %scan3A_52, %mul3A_757 : i32
          %add3A_759 = arith.constant 9 : i32
          %add3A_760 = arith.addi %mul3A_758, %add3A_759 : i32
          %mul3A_761 = arith.constant 64 : i32
          %mul3A_762 = arith.muli %squeeze3A_756, %mul3A_761 : i32
          %add3A_763 = arith.constant 0 : i32
          %add3A_764 = arith.addi %mul3A_762, %add3A_763 : i32
          %add3A_765 = arith.constant 0 : i32
          %add3A_766 = arith.addi %mul3A_0, %add3A_765 : i32
          %get3A_767 = arith.index_cast %add3A_764 : i32 to index
          %get3A_768 = tpu.vector_load %arg7[%get3A_767] {strides = array<i32>} : memref<65536xf32, #tpu.memory_space<vmem>>, vector<16xf32>,
          %get3A_769 = vector.shape_cast %get3A_768 : vector<16xf32> to vector<16xf32>
          %get3A_770 = arith.index_cast %add3A_760 : i32 to index
          %get3A_771 = arith.index_cast %add3A_766 : i32 to index
          %get3A_772 = tpu.vector_load %arg5[%get3A_770, %get3A_771] {strides = array<i32>} : memref<400x128xf32, #tpu.memory_space<vmem>>, vector<1x16xf32>,
          %get3A_773 = vector.shape_cast %get3A_772 : vector<1x16xf32> to vector<16xf32>
          %max3A_774 = arith.maximumf %get3A_769, %get3A_773 : vector<16xf32>
          %swap3A_775 = arith.index_cast %add3A_764 : i32 to index
          %swap3A_776 = tpu.vector_load %arg7[%swap3A_775] {strides = array<i32>} : memref<65536xf32, #tpu.memory_space<vmem>>, vector<16xf32>,
          %swap3A_777 = vector.shape_cast %swap3A_776 : vector<16xf32> to vector<16xf32>
          %swap3A_778 = vector.shape_cast %max3A_774 : vector<16xf32> to vector<16xf32>
          tpu.vector_store %arg7[%swap3A_775], %swap3A_778 {strides = array<i32>} : memref<65536xf32, #tpu.memory_space<vmem>>, vector<16xf32>,
          %mul3A_779 = arith.constant 64 : i32
          %mul3A_780 = arith.muli %squeeze3A_756, %mul3A_779 : i32
          %add3A_781 = arith.constant 16 : i32
          %add3A_782 = arith.addi %mul3A_780, %add3A_781 : i32
          %add3A_783 = arith.constant 16 : i32
          %add3A_784 = arith.addi %mul3A_0, %add3A_783 : i32
          %get3A_785 = arith.index_cast %add3A_782 : i32 to index
          %get3A_786 = tpu.vector_load %arg7[%get3A_785] {strides = array<i32>} : memref<65536xf32, #tpu.memory_space<vmem>>, vector<16xf32>,
          %get3A_787 = vector.shape_cast %get3A_786 : vector<16xf32> to vector<16xf32>
          %get3A_788 = arith.index_cast %add3A_760 : i32 to index
          %get3A_789 = arith.index_cast %add3A_784 : i32 to index
          %get3A_790 = tpu.vector_load %arg5[%get3A_788, %get3A_789] {strides = array<i32>} : memref<400x128xf32, #tpu.memory_space<vmem>>, vector<1x16xf32>,
          %get3A_791 = vector.shape_cast %get3A_790 : vector<1x16xf32> to vector<16xf32>
          %max3A_792 = arith.maximumf %get3A_787, %get3A_791 : vector<16xf32>
          %swap3A_793 = arith.index_cast %add3A_782 : i32 to index
          %swap3A_794 = tpu.vector_load %arg7[%swap3A_793] {strides = array<i32>} : memref<65536xf32, #tpu.memory_space<vmem>>, vector<16xf32>,
          %swap3A_795 = vector.shape_cast %swap3A_794 : vector<16xf32> to vector<16xf32>
          %swap3A_796 = vector.shape_cast %max3A_792 : vector<16xf32> to vector<16xf32>
          tpu.vector_store %arg7[%swap3A_793], %swap3A_796 {strides = array<i32>} : memref<65536xf32, #tpu.memory_space<vmem>>, vector<16xf32>,
          %mul3A_797 = arith.constant 64 : i32
          %mul3A_798 = arith.muli %squeeze3A_756, %mul3A_797 : i32
          %add3A_799 = arith.constant 32 : i32
          %add3A_800 = arith.addi %mul3A_798, %add3A_799 : i32
          %add3A_801 = arith.constant 32 : i32
          %add3A_802 = arith.addi %mul3A_0, %add3A_801 : i32
          %get3A_803 = arith.index_cast %add3A_800 : i32 to index
          %get3A_804 = tpu.vector_load %arg7[%get3A_803] {strides = array<i32>} : memref<65536xf32, #tpu.memory_space<vmem>>, vector<16xf32>,
          %get3A_805 = vector.shape_cast %get3A_804 : vector<16xf32> to vector<16xf32>
          %get3A_806 = arith.index_cast %add3A_760 : i32 to index
          %get3A_807 = arith.index_cast %add3A_802 : i32 to index
          %get3A_808 = tpu.vector_load %arg5[%get3A_806, %get3A_807] {strides = array<i32>} : memref<400x128xf32, #tpu.memory_space<vmem>>, vector<1x16xf32>,
          %get3A_809 = vector.shape_cast %get3A_808 : vector<1x16xf32> to vector<16xf32>
          %max3A_810 = arith.maximumf %get3A_805, %get3A_809 : vector<16xf32>
          %swap3A_811 = arith.index_cast %add3A_800 : i32 to index
          %swap3A_812 = tpu.vector_load %arg7[%swap3A_811] {strides = array<i32>} : memref<65536xf32, #tpu.memory_space<vmem>>, vector<16xf32>,
          %swap3A_813 = vector.shape_cast %swap3A_812 : vector<16xf32> to vector<16xf32>
          %swap3A_814 = vector.shape_cast %max3A_810 : vector<16xf32> to vector<16xf32>
          tpu.vector_store %arg7[%swap3A_811], %swap3A_814 {strides = array<i32>} : memref<65536xf32, #tpu.memory_space<vmem>>, vector<16xf32>,
          %mul3A_815 = arith.constant 64 : i32
          %mul3A_816 = arith.muli %squeeze3A_756, %mul3A_815 : i32
          %add3A_817 = arith.constant 48 : i32
          %add3A_818 = arith.addi %mul3A_816, %add3A_817 : i32
          %add3A_819 = arith.constant 48 : i32
          %add3A_820 = arith.addi %mul3A_0, %add3A_819 : i32
          %get3A_821 = arith.index_cast %add3A_818 : i32 to index
          %get3A_822 = tpu.vector_load %arg7[%get3A_821] {strides = array<i32>} : memref<65536xf32, #tpu.memory_space<vmem>>, vector<16xf32>,
          %get3A_823 = vector.shape_cast %get3A_822 : vector<16xf32> to vector<16xf32>
          %get3A_824 = arith.index_cast %add3A_760 : i32 to index
          %get3A_825 = arith.index_cast %add3A_820 : i32 to index
          %get3A_826 = tpu.vector_load %arg5[%get3A_824, %get3A_825] {strides = array<i32>} : memref<400x128xf32, #tpu.memory_space<vmem>>, vector<1x16xf32>,
          %get3A_827 = vector.shape_cast %get3A_826 : vector<1x16xf32> to vector<16xf32>
          %max3A_828 = arith.maximumf %get3A_823, %get3A_827 : vector<16xf32>
          %swap3A_829 = arith.index_cast %add3A_818 : i32 to index
          %swap3A_830 = tpu.vector_load %arg7[%swap3A_829] {strides = array<i32>} : memref<65536xf32, #tpu.memory_space<vmem>>, vector<16xf32>,
          %swap3A_831 = vector.shape_cast %swap3A_830 : vector<16xf32> to vector<16xf32>
          %swap3A_832 = vector.shape_cast %max3A_828 : vector<16xf32> to vector<16xf32>
          tpu.vector_store %arg7[%swap3A_829], %swap3A_832 {strides = array<i32>} : memref<65536xf32, #tpu.memory_space<vmem>>, vector<16xf32>,
          %slice3A_833 = vector.extract_strided_slice %get3A_56 {offsets = [10], sizes = [1], strides = [1]} : vector<16xi32> to vector<1xi32>
          %squeeze3A_834 = vector.extract %slice3A_833[0] : i32 from vector<1xi32>
          %mul3A_835 = arith.constant 16 : i32
          %mul3A_836 = arith.muli %scan3A_52, %mul3A_835 : i32
          %add3A_837 = arith.constant 10 : i32
          %add3A_838 = arith.addi %mul3A_836, %add3A_837 : i32
          %mul3A_839 = arith.constant 64 : i32
          %mul3A_840 = arith.muli %squeeze3A_834, %mul3A_839 : i32
          %add3A_841 = arith.constant 0 : i32
          %add3A_842 = arith.addi %mul3A_840, %add3A_841 : i32
          %add3A_843 = arith.constant 0 : i32
          %add3A_844 = arith.addi %mul3A_0, %add3A_843 : i32
          %get3A_845 = arith.index_cast %add3A_842 : i32 to index
          %get3A_846 = tpu.vector_load %arg7[%get3A_845] {strides = array<i32>} : memref<65536xf32, #tpu.memory_space<vmem>>, vector<16xf32>,
          %get3A_847 = vector.shape_cast %get3A_846 : vector<16xf32> to vector<16xf32>
          %get3A_848 = arith.index_cast %add3A_838 : i32 to index
          %get3A_849 = arith.index_cast %add3A_844 : i32 to index
          %get3A_850 = tpu.vector_load %arg5[%get3A_848, %get3A_849] {strides = array<i32>} : memref<400x128xf32, #tpu.memory_space<vmem>>, vector<1x16xf32>,
          %get3A_851 = vector.shape_cast %get3A_850 : vector<1x16xf32> to vector<16xf32>
          %max3A_852 = arith.maximumf %get3A_847, %get3A_851 : vector<16xf32>
          %swap3A_853 = arith.index_cast %add3A_842 : i32 to index
          %swap3A_854 = tpu.vector_load %arg7[%swap3A_853] {strides = array<i32>} : memref<65536xf32, #tpu.memory_space<vmem>>, vector<16xf32>,
          %swap3A_855 = vector.shape_cast %swap3A_854 : vector<16xf32> to vector<16xf32>
          %swap3A_856 = vector.shape_cast %max3A_852 : vector<16xf32> to vector<16xf32>
          tpu.vector_store %arg7[%swap3A_853], %swap3A_856 {strides = array<i32>} : memref<65536xf32, #tpu.memory_space<vmem>>, vector<16xf32>,
          %mul3A_857 = arith.constant 64 : i32
          %mul3A_858 = arith.muli %squeeze3A_834, %mul3A_857 : i32
          %add3A_859 = arith.constant 16 : i32
          %add3A_860 = arith.addi %mul3A_858, %add3A_859 : i32
          %add3A_861 = arith.constant 16 : i32
          %add3A_862 = arith.addi %mul3A_0, %add3A_861 : i32
          %get3A_863 = arith.index_cast %add3A_860 : i32 to index
          %get3A_864 = tpu.vector_load %arg7[%get3A_863] {strides = array<i32>} : memref<65536xf32, #tpu.memory_space<vmem>>, vector<16xf32>,
          %get3A_865 = vector.shape_cast %get3A_864 : vector<16xf32> to vector<16xf32>
          %get3A_866 = arith.index_cast %add3A_838 : i32 to index
          %get3A_867 = arith.index_cast %add3A_862 : i32 to index
          %get3A_868 = tpu.vector_load %arg5[%get3A_866, %get3A_867] {strides = array<i32>} : memref<400x128xf32, #tpu.memory_space<vmem>>, vector<1x16xf32>,
          %get3A_869 = vector.shape_cast %get3A_868 : vector<1x16xf32> to vector<16xf32>
          %max3A_870 = arith.maximumf %get3A_865, %get3A_869 : vector<16xf32>
          %swap3A_871 = arith.index_cast %add3A_860 : i32 to index
          %swap3A_872 = tpu.vector_load %arg7[%swap3A_871] {strides = array<i32>} : memref<65536xf32, #tpu.memory_space<vmem>>, vector<16xf32>,
          %swap3A_873 = vector.shape_cast %swap3A_872 : vector<16xf32> to vector<16xf32>
          %swap3A_874 = vector.shape_cast %max3A_870 : vector<16xf32> to vector<16xf32>
          tpu.vector_store %arg7[%swap3A_871], %swap3A_874 {strides = array<i32>} : memref<65536xf32, #tpu.memory_space<vmem>>, vector<16xf32>,
          %mul3A_875 = arith.constant 64 : i32
          %mul3A_876 = arith.muli %squeeze3A_834, %mul3A_875 : i32
          %add3A_877 = arith.constant 32 : i32
          %add3A_878 = arith.addi %mul3A_876, %add3A_877 : i32
          %add3A_879 = arith.constant 32 : i32
          %add3A_880 = arith.addi %mul3A_0, %add3A_879 : i32
          %get3A_881 = arith.index_cast %add3A_878 : i32 to index
          %get3A_882 = tpu.vector_load %arg7[%get3A_881] {strides = array<i32>} : memref<65536xf32, #tpu.memory_space<vmem>>, vector<16xf32>,
          %get3A_883 = vector.shape_cast %get3A_882 : vector<16xf32> to vector<16xf32>
          %get3A_884 = arith.index_cast %add3A_838 : i32 to index
          %get3A_885 = arith.index_cast %add3A_880 : i32 to index
          %get3A_886 = tpu.vector_load %arg5[%get3A_884, %get3A_885] {strides = array<i32>} : memref<400x128xf32, #tpu.memory_space<vmem>>, vector<1x16xf32>,
          %get3A_887 = vector.shape_cast %get3A_886 : vector<1x16xf32> to vector<16xf32>
          %max3A_888 = arith.maximumf %get3A_883, %get3A_887 : vector<16xf32>
          %swap3A_889 = arith.index_cast %add3A_878 : i32 to index
          %swap3A_890 = tpu.vector_load %arg7[%swap3A_889] {strides = array<i32>} : memref<65536xf32, #tpu.memory_space<vmem>>, vector<16xf32>,
          %swap3A_891 = vector.shape_cast %swap3A_890 : vector<16xf32> to vector<16xf32>
          %swap3A_892 = vector.shape_cast %max3A_888 : vector<16xf32> to vector<16xf32>
          tpu.vector_store %arg7[%swap3A_889], %swap3A_892 {strides = array<i32>} : memref<65536xf32, #tpu.memory_space<vmem>>, vector<16xf32>,
          %mul3A_893 = arith.constant 64 : i32
          %mul3A_894 = arith.muli %squeeze3A_834, %mul3A_893 : i32
          %add3A_895 = arith.constant 48 : i32
          %add3A_896 = arith.addi %mul3A_894, %add3A_895 : i32
          %add3A_897 = arith.constant 48 : i32
          %add3A_898 = arith.addi %mul3A_0, %add3A_897 : i32
          %get3A_899 = arith.index_cast %add3A_896 : i32 to index
          %get3A_900 = tpu.vector_load %arg7[%get3A_899] {strides = array<i32>} : memref<65536xf32, #tpu.memory_space<vmem>>, vector<16xf32>,
          %get3A_901 = vector.shape_cast %get3A_900 : vector<16xf32> to vector<16xf32>
          %get3A_902 = arith.index_cast %add3A_838 : i32 to index
          %get3A_903 = arith.index_cast %add3A_898 : i32 to index
          %get3A_904 = tpu.vector_load %arg5[%get3A_902, %get3A_903] {strides = array<i32>} : memref<400x128xf32, #tpu.memory_space<vmem>>, vector<1x16xf32>,
          %get3A_905 = vector.shape_cast %get3A_904 : vector<1x16xf32> to vector<16xf32>
          %max3A_906 = arith.maximumf %get3A_901, %get3A_905 : vector<16xf32>
          %swap3A_907 = arith.index_cast %add3A_896 : i32 to index
          %swap3A_908 = tpu.vector_load %arg7[%swap3A_907] {strides = array<i32>} : memref<65536xf32, #tpu.memory_space<vmem>>, vector<16xf32>,
          %swap3A_909 = vector.shape_cast %swap3A_908 : vector<16xf32> to vector<16xf32>
          %swap3A_910 = vector.shape_cast %max3A_906 : vector<16xf32> to vector<16xf32>
          tpu.vector_store %arg7[%swap3A_907], %swap3A_910 {strides = array<i32>} : memref<65536xf32, #tpu.memory_space<vmem>>, vector<16xf32>,
          %slice3A_911 = vector.extract_strided_slice %get3A_56 {offsets = [11], sizes = [1], strides = [1]} : vector<16xi32> to vector<1xi32>
          %squeeze3A_912 = vector.extract %slice3A_911[0] : i32 from vector<1xi32>
          %mul3A_913 = arith.constant 16 : i32
          %mul3A_914 = arith.muli %scan3A_52, %mul3A_913 : i32
          %add3A_915 = arith.constant 11 : i32
          %add3A_916 = arith.addi %mul3A_914, %add3A_915 : i32
          %mul3A_917 = arith.constant 64 : i32
          %mul3A_918 = arith.muli %squeeze3A_912, %mul3A_917 : i32
          %add3A_919 = arith.constant 0 : i32
          %add3A_920 = arith.addi %mul3A_918, %add3A_919 : i32
          %add3A_921 = arith.constant 0 : i32
          %add3A_922 = arith.addi %mul3A_0, %add3A_921 : i32
          %get3A_923 = arith.index_cast %add3A_920 : i32 to index
          %get3A_924 = tpu.vector_load %arg7[%get3A_923] {strides = array<i32>} : memref<65536xf32, #tpu.memory_space<vmem>>, vector<16xf32>,
          %get3A_925 = vector.shape_cast %get3A_924 : vector<16xf32> to vector<16xf32>
          %get3A_926 = arith.index_cast %add3A_916 : i32 to index
          %get3A_927 = arith.index_cast %add3A_922 : i32 to index
          %get3A_928 = tpu.vector_load %arg5[%get3A_926, %get3A_927] {strides = array<i32>} : memref<400x128xf32, #tpu.memory_space<vmem>>, vector<1x16xf32>,
          %get3A_929 = vector.shape_cast %get3A_928 : vector<1x16xf32> to vector<16xf32>
          %max3A_930 = arith.maximumf %get3A_925, %get3A_929 : vector<16xf32>
          %swap3A_931 = arith.index_cast %add3A_920 : i32 to index
          %swap3A_932 = tpu.vector_load %arg7[%swap3A_931] {strides = array<i32>} : memref<65536xf32, #tpu.memory_space<vmem>>, vector<16xf32>,
          %swap3A_933 = vector.shape_cast %swap3A_932 : vector<16xf32> to vector<16xf32>
          %swap3A_934 = vector.shape_cast %max3A_930 : vector<16xf32> to vector<16xf32>
          tpu.vector_store %arg7[%swap3A_931], %swap3A_934 {strides = array<i32>} : memref<65536xf32, #tpu.memory_space<vmem>>, vector<16xf32>,
          %mul3A_935 = arith.constant 64 : i32
          %mul3A_936 = arith.muli %squeeze3A_912, %mul3A_935 : i32
          %add3A_937 = arith.constant 16 : i32
          %add3A_938 = arith.addi %mul3A_936, %add3A_937 : i32
          %add3A_939 = arith.constant 16 : i32
          %add3A_940 = arith.addi %mul3A_0, %add3A_939 : i32
          %get3A_941 = arith.index_cast %add3A_938 : i32 to index
          %get3A_942 = tpu.vector_load %arg7[%get3A_941] {strides = array<i32>} : memref<65536xf32, #tpu.memory_space<vmem>>, vector<16xf32>,
          %get3A_943 = vector.shape_cast %get3A_942 : vector<16xf32> to vector<16xf32>
          %get3A_944 = arith.index_cast %add3A_916 : i32 to index
          %get3A_945 = arith.index_cast %add3A_940 : i32 to index
          %get3A_946 = tpu.vector_load %arg5[%get3A_944, %get3A_945] {strides = array<i32>} : memref<400x128xf32, #tpu.memory_space<vmem>>, vector<1x16xf32>,
          %get3A_947 = vector.shape_cast %get3A_946 : vector<1x16xf32> to vector<16xf32>
          %max3A_948 = arith.maximumf %get3A_943, %get3A_947 : vector<16xf32>
          %swap3A_949 = arith.index_cast %add3A_938 : i32 to index
          %swap3A_950 = tpu.vector_load %arg7[%swap3A_949] {strides = array<i32>} : memref<65536xf32, #tpu.memory_space<vmem>>, vector<16xf32>,
          %swap3A_951 = vector.shape_cast %swap3A_950 : vector<16xf32> to vector<16xf32>
          %swap3A_952 = vector.shape_cast %max3A_948 : vector<16xf32> to vector<16xf32>
          tpu.vector_store %arg7[%swap3A_949], %swap3A_952 {strides = array<i32>} : memref<65536xf32, #tpu.memory_space<vmem>>, vector<16xf32>,
          %mul3A_953 = arith.constant 64 : i32
          %mul3A_954 = arith.muli %squeeze3A_912, %mul3A_953 : i32
          %add3A_955 = arith.constant 32 : i32
          %add3A_956 = arith.addi %mul3A_954, %add3A_955 : i32
          %add3A_957 = arith.constant 32 : i32
          %add3A_958 = arith.addi %mul3A_0, %add3A_957 : i32
          %get3A_959 = arith.index_cast %add3A_956 : i32 to index
          %get3A_960 = tpu.vector_load %arg7[%get3A_959] {strides = array<i32>} : memref<65536xf32, #tpu.memory_space<vmem>>, vector<16xf32>,
          %get3A_961 = vector.shape_cast %get3A_960 : vector<16xf32> to vector<16xf32>
          %get3A_962 = arith.index_cast %add3A_916 : i32 to index
          %get3A_963 = arith.index_cast %add3A_958 : i32 to index
          %get3A_964 = tpu.vector_load %arg5[%get3A_962, %get3A_963] {strides = array<i32>} : memref<400x128xf32, #tpu.memory_space<vmem>>, vector<1x16xf32>,
          %get3A_965 = vector.shape_cast %get3A_964 : vector<1x16xf32> to vector<16xf32>
          %max3A_966 = arith.maximumf %get3A_961, %get3A_965 : vector<16xf32>
          %swap3A_967 = arith.index_cast %add3A_956 : i32 to index
          %swap3A_968 = tpu.vector_load %arg7[%swap3A_967] {strides = array<i32>} : memref<65536xf32, #tpu.memory_space<vmem>>, vector<16xf32>,
          %swap3A_969 = vector.shape_cast %swap3A_968 : vector<16xf32> to vector<16xf32>
          %swap3A_970 = vector.shape_cast %max3A_966 : vector<16xf32> to vector<16xf32>
          tpu.vector_store %arg7[%swap3A_967], %swap3A_970 {strides = array<i32>} : memref<65536xf32, #tpu.memory_space<vmem>>, vector<16xf32>,
          %mul3A_971 = arith.constant 64 : i32
          %mul3A_972 = arith.muli %squeeze3A_912, %mul3A_971 : i32
          %add3A_973 = arith.constant 48 : i32
          %add3A_974 = arith.addi %mul3A_972, %add3A_973 : i32
          %add3A_975 = arith.constant 48 : i32
          %add3A_976 = arith.addi %mul3A_0, %add3A_975 : i32
          %get3A_977 = arith.index_cast %add3A_974 : i32 to index
          %get3A_978 = tpu.vector_load %arg7[%get3A_977] {strides = array<i32>} : memref<65536xf32, #tpu.memory_space<vmem>>, vector<16xf32>,
          %get3A_979 = vector.shape_cast %get3A_978 : vector<16xf32> to vector<16xf32>
          %get3A_980 = arith.index_cast %add3A_916 : i32 to index
          %get3A_981 = arith.index_cast %add3A_976 : i32 to index
          %get3A_982 = tpu.vector_load %arg5[%get3A_980, %get3A_981] {strides = array<i32>} : memref<400x128xf32, #tpu.memory_space<vmem>>, vector<1x16xf32>,
          %get3A_983 = vector.shape_cast %get3A_982 : vector<1x16xf32> to vector<16xf32>
          %max3A_984 = arith.maximumf %get3A_979, %get3A_983 : vector<16xf32>
          %swap3A_985 = arith.index_cast %add3A_974 : i32 to index
          %swap3A_986 = tpu.vector_load %arg7[%swap3A_985] {strides = array<i32>} : memref<65536xf32, #tpu.memory_space<vmem>>, vector<16xf32>,
          %swap3A_987 = vector.shape_cast %swap3A_986 : vector<16xf32> to vector<16xf32>
          %swap3A_988 = vector.shape_cast %max3A_984 : vector<16xf32> to vector<16xf32>
          tpu.vector_store %arg7[%swap3A_985], %swap3A_988 {strides = array<i32>} : memref<65536xf32, #tpu.memory_space<vmem>>, vector<16xf32>,
          %slice3A_989 = vector.extract_strided_slice %get3A_56 {offsets = [12], sizes = [1], strides = [1]} : vector<16xi32> to vector<1xi32>
          %squeeze3A_990 = vector.extract %slice3A_989[0] : i32 from vector<1xi32>
          %mul3A_991 = arith.constant 16 : i32
          %mul3A_992 = arith.muli %scan3A_52, %mul3A_991 : i32
          %add3A_993 = arith.constant 12 : i32
          %add3A_994 = arith.addi %mul3A_992, %add3A_993 : i32
          %mul3A_995 = arith.constant 64 : i32
          %mul3A_996 = arith.muli %squeeze3A_990, %mul3A_995 : i32
          %add3A_997 = arith.constant 0 : i32
          %add3A_998 = arith.addi %mul3A_996, %add3A_997 : i32
          %add3A_999 = arith.constant 0 : i32
          %add3A_1000 = arith.addi %mul3A_0, %add3A_999 : i32
          %get3A_1001 = arith.index_cast %add3A_998 : i32 to index
          %get3A_1002 = tpu.vector_load %arg7[%get3A_1001] {strides = array<i32>} : memref<65536xf32, #tpu.memory_space<vmem>>, vector<16xf32>,
          %get3A_1003 = vector.shape_cast %get3A_1002 : vector<16xf32> to vector<16xf32>
          %get3A_1004 = arith.index_cast %add3A_994 : i32 to index
          %get3A_1005 = arith.index_cast %add3A_1000 : i32 to index
          %get3A_1006 = tpu.vector_load %arg5[%get3A_1004, %get3A_1005] {strides = array<i32>} : memref<400x128xf32, #tpu.memory_space<vmem>>, vector<1x16xf32>,
          %get3A_1007 = vector.shape_cast %get3A_1006 : vector<1x16xf32> to vector<16xf32>
          %max3A_1008 = arith.maximumf %get3A_1003, %get3A_1007 : vector<16xf32>
          %swap3A_1009 = arith.index_cast %add3A_998 : i32 to index
          %swap3A_1010 = tpu.vector_load %arg7[%swap3A_1009] {strides = array<i32>} : memref<65536xf32, #tpu.memory_space<vmem>>, vector<16xf32>,
          %swap3A_1011 = vector.shape_cast %swap3A_1010 : vector<16xf32> to vector<16xf32>
          %swap3A_1012 = vector.shape_cast %max3A_1008 : vector<16xf32> to vector<16xf32>
          tpu.vector_store %arg7[%swap3A_1009], %swap3A_1012 {strides = array<i32>} : memref<65536xf32, #tpu.memory_space<vmem>>, vector<16xf32>,
          %mul3A_1013 = arith.constant 64 : i32
          %mul3A_1014 = arith.muli %squeeze3A_990, %mul3A_1013 : i32
          %add3A_1015 = arith.constant 16 : i32
          %add3A_1016 = arith.addi %mul3A_1014, %add3A_1015 : i32
          %add3A_1017 = arith.constant 16 : i32
          %add3A_1018 = arith.addi %mul3A_0, %add3A_1017 : i32
          %get3A_1019 = arith.index_cast %add3A_1016 : i32 to index
          %get3A_1020 = tpu.vector_load %arg7[%get3A_1019] {strides = array<i32>} : memref<65536xf32, #tpu.memory_space<vmem>>, vector<16xf32>,
          %get3A_1021 = vector.shape_cast %get3A_1020 : vector<16xf32> to vector<16xf32>
          %get3A_1022 = arith.index_cast %add3A_994 : i32 to index
          %get3A_1023 = arith.index_cast %add3A_1018 : i32 to index
          %get3A_1024 = tpu.vector_load %arg5[%get3A_1022, %get3A_1023] {strides = array<i32>} : memref<400x128xf32, #tpu.memory_space<vmem>>, vector<1x16xf32>,
          %get3A_1025 = vector.shape_cast %get3A_1024 : vector<1x16xf32> to vector<16xf32>
          %max3A_1026 = arith.maximumf %get3A_1021, %get3A_1025 : vector<16xf32>
          %swap3A_1027 = arith.index_cast %add3A_1016 : i32 to index
          %swap3A_1028 = tpu.vector_load %arg7[%swap3A_1027] {strides = array<i32>} : memref<65536xf32, #tpu.memory_space<vmem>>, vector<16xf32>,
          %swap3A_1029 = vector.shape_cast %swap3A_1028 : vector<16xf32> to vector<16xf32>
          %swap3A_1030 = vector.shape_cast %max3A_1026 : vector<16xf32> to vector<16xf32>
          tpu.vector_store %arg7[%swap3A_1027], %swap3A_1030 {strides = array<i32>} : memref<65536xf32, #tpu.memory_space<vmem>>, vector<16xf32>,
          %mul3A_1031 = arith.constant 64 : i32
          %mul3A_1032 = arith.muli %squeeze3A_990, %mul3A_1031 : i32
          %add3A_1033 = arith.constant 32 : i32
          %add3A_1034 = arith.addi %mul3A_1032, %add3A_1033 : i32
          %add3A_1035 = arith.constant 32 : i32
          %add3A_1036 = arith.addi %mul3A_0, %add3A_1035 : i32
          %get3A_1037 = arith.index_cast %add3A_1034 : i32 to index
          %get3A_1038 = tpu.vector_load %arg7[%get3A_1037] {strides = array<i32>} : memref<65536xf32, #tpu.memory_space<vmem>>, vector<16xf32>,
          %get3A_1039 = vector.shape_cast %get3A_1038 : vector<16xf32> to vector<16xf32>
          %get3A_1040 = arith.index_cast %add3A_994 : i32 to index
          %get3A_1041 = arith.index_cast %add3A_1036 : i32 to index
          %get3A_1042 = tpu.vector_load %arg5[%get3A_1040, %get3A_1041] {strides = array<i32>} : memref<400x128xf32, #tpu.memory_space<vmem>>, vector<1x16xf32>,
          %get3A_1043 = vector.shape_cast %get3A_1042 : vector<1x16xf32> to vector<16xf32>
          %max3A_1044 = arith.maximumf %get3A_1039, %get3A_1043 : vector<16xf32>
          %swap3A_1045 = arith.index_cast %add3A_1034 : i32 to index
          %swap3A_1046 = tpu.vector_load %arg7[%swap3A_1045] {strides = array<i32>} : memref<65536xf32, #tpu.memory_space<vmem>>, vector<16xf32>,
          %swap3A_1047 = vector.shape_cast %swap3A_1046 : vector<16xf32> to vector<16xf32>
          %swap3A_1048 = vector.shape_cast %max3A_1044 : vector<16xf32> to vector<16xf32>
          tpu.vector_store %arg7[%swap3A_1045], %swap3A_1048 {strides = array<i32>} : memref<65536xf32, #tpu.memory_space<vmem>>, vector<16xf32>,
          %mul3A_1049 = arith.constant 64 : i32
          %mul3A_1050 = arith.muli %squeeze3A_990, %mul3A_1049 : i32
          %add3A_1051 = arith.constant 48 : i32
          %add3A_1052 = arith.addi %mul3A_1050, %add3A_1051 : i32
          %add3A_1053 = arith.constant 48 : i32
          %add3A_1054 = arith.addi %mul3A_0, %add3A_1053 : i32
          %get3A_1055 = arith.index_cast %add3A_1052 : i32 to index
          %get3A_1056 = tpu.vector_load %arg7[%get3A_1055] {strides = array<i32>} : memref<65536xf32, #tpu.memory_space<vmem>>, vector<16xf32>,
          %get3A_1057 = vector.shape_cast %get3A_1056 : vector<16xf32> to vector<16xf32>
          %get3A_1058 = arith.index_cast %add3A_994 : i32 to index
          %get3A_1059 = arith.index_cast %add3A_1054 : i32 to index
          %get3A_1060 = tpu.vector_load %arg5[%get3A_1058, %get3A_1059] {strides = array<i32>} : memref<400x128xf32, #tpu.memory_space<vmem>>, vector<1x16xf32>,
          %get3A_1061 = vector.shape_cast %get3A_1060 : vector<1x16xf32> to vector<16xf32>
          %max3A_1062 = arith.maximumf %get3A_1057, %get3A_1061 : vector<16xf32>
          %swap3A_1063 = arith.index_cast %add3A_1052 : i32 to index
          %swap3A_1064 = tpu.vector_load %arg7[%swap3A_1063] {strides = array<i32>} : memref<65536xf32, #tpu.memory_space<vmem>>, vector<16xf32>,
          %swap3A_1065 = vector.shape_cast %swap3A_1064 : vector<16xf32> to vector<16xf32>
          %swap3A_1066 = vector.shape_cast %max3A_1062 : vector<16xf32> to vector<16xf32>
          tpu.vector_store %arg7[%swap3A_1063], %swap3A_1066 {strides = array<i32>} : memref<65536xf32, #tpu.memory_space<vmem>>, vector<16xf32>,
          %slice3A_1067 = vector.extract_strided_slice %get3A_56 {offsets = [13], sizes = [1], strides = [1]} : vector<16xi32> to vector<1xi32>
          %squeeze3A_1068 = vector.extract %slice3A_1067[0] : i32 from vector<1xi32>
          %mul3A_1069 = arith.constant 16 : i32
          %mul3A_1070 = arith.muli %scan3A_52, %mul3A_1069 : i32
          %add3A_1071 = arith.constant 13 : i32
          %add3A_1072 = arith.addi %mul3A_1070, %add3A_1071 : i32
          %mul3A_1073 = arith.constant 64 : i32
          %mul3A_1074 = arith.muli %squeeze3A_1068, %mul3A_1073 : i32
          %add3A_1075 = arith.constant 0 : i32
          %add3A_1076 = arith.addi %mul3A_1074, %add3A_1075 : i32
          %add3A_1077 = arith.constant 0 : i32
          %add3A_1078 = arith.addi %mul3A_0, %add3A_1077 : i32
          %get3A_1079 = arith.index_cast %add3A_1076 : i32 to index
          %get3A_1080 = tpu.vector_load %arg7[%get3A_1079] {strides = array<i32>} : memref<65536xf32, #tpu.memory_space<vmem>>, vector<16xf32>,
          %get3A_1081 = vector.shape_cast %get3A_1080 : vector<16xf32> to vector<16xf32>
          %get3A_1082 = arith.index_cast %add3A_1072 : i32 to index
          %get3A_1083 = arith.index_cast %add3A_1078 : i32 to index
          %get3A_1084 = tpu.vector_load %arg5[%get3A_1082, %get3A_1083] {strides = array<i32>} : memref<400x128xf32, #tpu.memory_space<vmem>>, vector<1x16xf32>,
          %get3A_1085 = vector.shape_cast %get3A_1084 : vector<1x16xf32> to vector<16xf32>
          %max3A_1086 = arith.maximumf %get3A_1081, %get3A_1085 : vector<16xf32>
          %swap3A_1087 = arith.index_cast %add3A_1076 : i32 to index
          %swap3A_1088 = tpu.vector_load %arg7[%swap3A_1087] {strides = array<i32>} : memref<65536xf32, #tpu.memory_space<vmem>>, vector<16xf32>,
          %swap3A_1089 = vector.shape_cast %swap3A_1088 : vector<16xf32> to vector<16xf32>
          %swap3A_1090 = vector.shape_cast %max3A_1086 : vector<16xf32> to vector<16xf32>
          tpu.vector_store %arg7[%swap3A_1087], %swap3A_1090 {strides = array<i32>} : memref<65536xf32, #tpu.memory_space<vmem>>, vector<16xf32>,
          %mul3A_1091 = arith.constant 64 : i32
          %mul3A_1092 = arith.muli %squeeze3A_1068, %mul3A_1091 : i32
          %add3A_1093 = arith.constant 16 : i32
          %add3A_1094 = arith.addi %mul3A_1092, %add3A_1093 : i32
          %add3A_1095 = arith.constant 16 : i32
          %add3A_1096 = arith.addi %mul3A_0, %add3A_1095 : i32
          %get3A_1097 = arith.index_cast %add3A_1094 : i32 to index
          %get3A_1098 = tpu.vector_load %arg7[%get3A_1097] {strides = array<i32>} : memref<65536xf32, #tpu.memory_space<vmem>>, vector<16xf32>,
          %get3A_1099 = vector.shape_cast %get3A_1098 : vector<16xf32> to vector<16xf32>
          %get3A_1100 = arith.index_cast %add3A_1072 : i32 to index
          %get3A_1101 = arith.index_cast %add3A_1096 : i32 to index
          %get3A_1102 = tpu.vector_load %arg5[%get3A_1100, %get3A_1101] {strides = array<i32>} : memref<400x128xf32, #tpu.memory_space<vmem>>, vector<1x16xf32>,
          %get3A_1103 = vector.shape_cast %get3A_1102 : vector<1x16xf32> to vector<16xf32>
          %max3A_1104 = arith.maximumf %get3A_1099, %get3A_1103 : vector<16xf32>
          %swap3A_1105 = arith.index_cast %add3A_1094 : i32 to index
          %swap3A_1106 = tpu.vector_load %arg7[%swap3A_1105] {strides = array<i32>} : memref<65536xf32, #tpu.memory_space<vmem>>, vector<16xf32>,
          %swap3A_1107 = vector.shape_cast %swap3A_1106 : vector<16xf32> to vector<16xf32>
          %swap3A_1108 = vector.shape_cast %max3A_1104 : vector<16xf32> to vector<16xf32>
          tpu.vector_store %arg7[%swap3A_1105], %swap3A_1108 {strides = array<i32>} : memref<65536xf32, #tpu.memory_space<vmem>>, vector<16xf32>,
          %mul3A_1109 = arith.constant 64 : i32
          %mul3A_1110 = arith.muli %squeeze3A_1068, %mul3A_1109 : i32
          %add3A_1111 = arith.constant 32 : i32
          %add3A_1112 = arith.addi %mul3A_1110, %add3A_1111 : i32
          %add3A_1113 = arith.constant 32 : i32
          %add3A_1114 = arith.addi %mul3A_0, %add3A_1113 : i32
          %get3A_1115 = arith.index_cast %add3A_1112 : i32 to index
          %get3A_1116 = tpu.vector_load %arg7[%get3A_1115] {strides = array<i32>} : memref<65536xf32, #tpu.memory_space<vmem>>, vector<16xf32>,
          %get3A_1117 = vector.shape_cast %get3A_1116 : vector<16xf32> to vector<16xf32>
          %get3A_1118 = arith.index_cast %add3A_1072 : i32 to index
          %get3A_1119 = arith.index_cast %add3A_1114 : i32 to index
          %get3A_1120 = tpu.vector_load %arg5[%get3A_1118, %get3A_1119] {strides = array<i32>} : memref<400x128xf32, #tpu.memory_space<vmem>>, vector<1x16xf32>,
          %get3A_1121 = vector.shape_cast %get3A_1120 : vector<1x16xf32> to vector<16xf32>
          %max3A_1122 = arith.maximumf %get3A_1117, %get3A_1121 : vector<16xf32>
          %swap3A_1123 = arith.index_cast %add3A_1112 : i32 to index
          %swap3A_1124 = tpu.vector_load %arg7[%swap3A_1123] {strides = array<i32>} : memref<65536xf32, #tpu.memory_space<vmem>>, vector<16xf32>,
          %swap3A_1125 = vector.shape_cast %swap3A_1124 : vector<16xf32> to vector<16xf32>
          %swap3A_1126 = vector.shape_cast %max3A_1122 : vector<16xf32> to vector<16xf32>
          tpu.vector_store %arg7[%swap3A_1123], %swap3A_1126 {strides = array<i32>} : memref<65536xf32, #tpu.memory_space<vmem>>, vector<16xf32>,
          %mul3A_1127 = arith.constant 64 : i32
          %mul3A_1128 = arith.muli %squeeze3A_1068, %mul3A_1127 : i32
          %add3A_1129 = arith.constant 48 : i32
          %add3A_1130 = arith.addi %mul3A_1128, %add3A_1129 : i32
          %add3A_1131 = arith.constant 48 : i32
          %add3A_1132 = arith.addi %mul3A_0, %add3A_1131 : i32
          %get3A_1133 = arith.index_cast %add3A_1130 : i32 to index
          %get3A_1134 = tpu.vector_load %arg7[%get3A_1133] {strides = array<i32>} : memref<65536xf32, #tpu.memory_space<vmem>>, vector<16xf32>,
          %get3A_1135 = vector.shape_cast %get3A_1134 : vector<16xf32> to vector<16xf32>
          %get3A_1136 = arith.index_cast %add3A_1072 : i32 to index
          %get3A_1137 = arith.index_cast %add3A_1132 : i32 to index
          %get3A_1138 = tpu.vector_load %arg5[%get3A_1136, %get3A_1137] {strides = array<i32>} : memref<400x128xf32, #tpu.memory_space<vmem>>, vector<1x16xf32>,
          %get3A_1139 = vector.shape_cast %get3A_1138 : vector<1x16xf32> to vector<16xf32>
          %max3A_1140 = arith.maximumf %get3A_1135, %get3A_1139 : vector<16xf32>
          %swap3A_1141 = arith.index_cast %add3A_1130 : i32 to index
          %swap3A_1142 = tpu.vector_load %arg7[%swap3A_1141] {strides = array<i32>} : memref<65536xf32, #tpu.memory_space<vmem>>, vector<16xf32>,
          %swap3A_1143 = vector.shape_cast %swap3A_1142 : vector<16xf32> to vector<16xf32>
          %swap3A_1144 = vector.shape_cast %max3A_1140 : vector<16xf32> to vector<16xf32>
          tpu.vector_store %arg7[%swap3A_1141], %swap3A_1144 {strides = array<i32>} : memref<65536xf32, #tpu.memory_space<vmem>>, vector<16xf32>,
          %slice3A_1145 = vector.extract_strided_slice %get3A_56 {offsets = [14], sizes = [1], strides = [1]} : vector<16xi32> to vector<1xi32>
          %squeeze3A_1146 = vector.extract %slice3A_1145[0] : i32 from vector<1xi32>
          %mul3A_1147 = arith.constant 16 : i32
          %mul3A_1148 = arith.muli %scan3A_52, %mul3A_1147 : i32
          %add3A_1149 = arith.constant 14 : i32
          %add3A_1150 = arith.addi %mul3A_1148, %add3A_1149 : i32
          %mul3A_1151 = arith.constant 64 : i32
          %mul3A_1152 = arith.muli %squeeze3A_1146, %mul3A_1151 : i32
          %add3A_1153 = arith.constant 0 : i32
          %add3A_1154 = arith.addi %mul3A_1152, %add3A_1153 : i32
          %add3A_1155 = arith.constant 0 : i32
          %add3A_1156 = arith.addi %mul3A_0, %add3A_1155 : i32
          %get3A_1157 = arith.index_cast %add3A_1154 : i32 to index
          %get3A_1158 = tpu.vector_load %arg7[%get3A_1157] {strides = array<i32>} : memref<65536xf32, #tpu.memory_space<vmem>>, vector<16xf32>,
          %get3A_1159 = vector.shape_cast %get3A_1158 : vector<16xf32> to vector<16xf32>
          %get3A_1160 = arith.index_cast %add3A_1150 : i32 to index
          %get3A_1161 = arith.index_cast %add3A_1156 : i32 to index
          %get3A_1162 = tpu.vector_load %arg5[%get3A_1160, %get3A_1161] {strides = array<i32>} : memref<400x128xf32, #tpu.memory_space<vmem>>, vector<1x16xf32>,
          %get3A_1163 = vector.shape_cast %get3A_1162 : vector<1x16xf32> to vector<16xf32>
          %max3A_1164 = arith.maximumf %get3A_1159, %get3A_1163 : vector<16xf32>
          %swap3A_1165 = arith.index_cast %add3A_1154 : i32 to index
          %swap3A_1166 = tpu.vector_load %arg7[%swap3A_1165] {strides = array<i32>} : memref<65536xf32, #tpu.memory_space<vmem>>, vector<16xf32>,
          %swap3A_1167 = vector.shape_cast %swap3A_1166 : vector<16xf32> to vector<16xf32>
          %swap3A_1168 = vector.shape_cast %max3A_1164 : vector<16xf32> to vector<16xf32>
          tpu.vector_store %arg7[%swap3A_1165], %swap3A_1168 {strides = array<i32>} : memref<65536xf32, #tpu.memory_space<vmem>>, vector<16xf32>,
          %mul3A_1169 = arith.constant 64 : i32
          %mul3A_1170 = arith.muli %squeeze3A_1146, %mul3A_1169 : i32
          %add3A_1171 = arith.constant 16 : i32
          %add3A_1172 = arith.addi %mul3A_1170, %add3A_1171 : i32
          %add3A_1173 = arith.constant 16 : i32
          %add3A_1174 = arith.addi %mul3A_0, %add3A_1173 : i32
          %get3A_1175 = arith.index_cast %add3A_1172 : i32 to index
          %get3A_1176 = tpu.vector_load %arg7[%get3A_1175] {strides = array<i32>} : memref<65536xf32, #tpu.memory_space<vmem>>, vector<16xf32>,
          %get3A_1177 = vector.shape_cast %get3A_1176 : vector<16xf32> to vector<16xf32>
          %get3A_1178 = arith.index_cast %add3A_1150 : i32 to index
          %get3A_1179 = arith.index_cast %add3A_1174 : i32 to index
          %get3A_1180 = tpu.vector_load %arg5[%get3A_1178, %get3A_1179] {strides = array<i32>} : memref<400x128xf32, #tpu.memory_space<vmem>>, vector<1x16xf32>,
          %get3A_1181 = vector.shape_cast %get3A_1180 : vector<1x16xf32> to vector<16xf32>
          %max3A_1182 = arith.maximumf %get3A_1177, %get3A_1181 : vector<16xf32>
          %swap3A_1183 = arith.index_cast %add3A_1172 : i32 to index
          %swap3A_1184 = tpu.vector_load %arg7[%swap3A_1183] {strides = array<i32>} : memref<65536xf32, #tpu.memory_space<vmem>>, vector<16xf32>,
          %swap3A_1185 = vector.shape_cast %swap3A_1184 : vector<16xf32> to vector<16xf32>
          %swap3A_1186 = vector.shape_cast %max3A_1182 : vector<16xf32> to vector<16xf32>
          tpu.vector_store %arg7[%swap3A_1183], %swap3A_1186 {strides = array<i32>} : memref<65536xf32, #tpu.memory_space<vmem>>, vector<16xf32>,
          %mul3A_1187 = arith.constant 64 : i32
          %mul3A_1188 = arith.muli %squeeze3A_1146, %mul3A_1187 : i32
          %add3A_1189 = arith.constant 32 : i32
          %add3A_1190 = arith.addi %mul3A_1188, %add3A_1189 : i32
          %add3A_1191 = arith.constant 32 : i32
          %add3A_1192 = arith.addi %mul3A_0, %add3A_1191 : i32
          %get3A_1193 = arith.index_cast %add3A_1190 : i32 to index
          %get3A_1194 = tpu.vector_load %arg7[%get3A_1193] {strides = array<i32>} : memref<65536xf32, #tpu.memory_space<vmem>>, vector<16xf32>,
          %get3A_1195 = vector.shape_cast %get3A_1194 : vector<16xf32> to vector<16xf32>
          %get3A_1196 = arith.index_cast %add3A_1150 : i32 to index
          %get3A_1197 = arith.index_cast %add3A_1192 : i32 to index
          %get3A_1198 = tpu.vector_load %arg5[%get3A_1196, %get3A_1197] {strides = array<i32>} : memref<400x128xf32, #tpu.memory_space<vmem>>, vector<1x16xf32>,
          %get3A_1199 = vector.shape_cast %get3A_1198 : vector<1x16xf32> to vector<16xf32>
          %max3A_1200 = arith.maximumf %get3A_1195, %get3A_1199 : vector<16xf32>
          %swap3A_1201 = arith.index_cast %add3A_1190 : i32 to index
          %swap3A_1202 = tpu.vector_load %arg7[%swap3A_1201] {strides = array<i32>} : memref<65536xf32, #tpu.memory_space<vmem>>, vector<16xf32>,
          %swap3A_1203 = vector.shape_cast %swap3A_1202 : vector<16xf32> to vector<16xf32>
          %swap3A_1204 = vector.shape_cast %max3A_1200 : vector<16xf32> to vector<16xf32>
          tpu.vector_store %arg7[%swap3A_1201], %swap3A_1204 {strides = array<i32>} : memref<65536xf32, #tpu.memory_space<vmem>>, vector<16xf32>,
          %mul3A_1205 = arith.constant 64 : i32
          %mul3A_1206 = arith.muli %squeeze3A_1146, %mul3A_1205 : i32
          %add3A_1207 = arith.constant 48 : i32
          %add3A_1208 = arith.addi %mul3A_1206, %add3A_1207 : i32
          %add3A_1209 = arith.constant 48 : i32
          %add3A_1210 = arith.addi %mul3A_0, %add3A_1209 : i32
          %get3A_1211 = arith.index_cast %add3A_1208 : i32 to index
          %get3A_1212 = tpu.vector_load %arg7[%get3A_1211] {strides = array<i32>} : memref<65536xf32, #tpu.memory_space<vmem>>, vector<16xf32>,
          %get3A_1213 = vector.shape_cast %get3A_1212 : vector<16xf32> to vector<16xf32>
          %get3A_1214 = arith.index_cast %add3A_1150 : i32 to index
          %get3A_1215 = arith.index_cast %add3A_1210 : i32 to index
          %get3A_1216 = tpu.vector_load %arg5[%get3A_1214, %get3A_1215] {strides = array<i32>} : memref<400x128xf32, #tpu.memory_space<vmem>>, vector<1x16xf32>,
          %get3A_1217 = vector.shape_cast %get3A_1216 : vector<1x16xf32> to vector<16xf32>
          %max3A_1218 = arith.maximumf %get3A_1213, %get3A_1217 : vector<16xf32>
          %swap3A_1219 = arith.index_cast %add3A_1208 : i32 to index
          %swap3A_1220 = tpu.vector_load %arg7[%swap3A_1219] {strides = array<i32>} : memref<65536xf32, #tpu.memory_space<vmem>>, vector<16xf32>,
          %swap3A_1221 = vector.shape_cast %swap3A_1220 : vector<16xf32> to vector<16xf32>
          %swap3A_1222 = vector.shape_cast %max3A_1218 : vector<16xf32> to vector<16xf32>
          tpu.vector_store %arg7[%swap3A_1219], %swap3A_1222 {strides = array<i32>} : memref<65536xf32, #tpu.memory_space<vmem>>, vector<16xf32>,
          %slice3A_1223 = vector.extract_strided_slice %get3A_56 {offsets = [15], sizes = [1], strides = [1]} : vector<16xi32> to vector<1xi32>
          %squeeze3A_1224 = vector.extract %slice3A_1223[0] : i32 from vector<1xi32>
          %mul3A_1225 = arith.constant 16 : i32
          %mul3A_1226 = arith.muli %scan3A_52, %mul3A_1225 : i32
          %add3A_1227 = arith.constant 15 : i32
          %add3A_1228 = arith.addi %mul3A_1226, %add3A_1227 : i32
          %mul3A_1229 = arith.constant 64 : i32
          %mul3A_1230 = arith.muli %squeeze3A_1224, %mul3A_1229 : i32
          %add3A_1231 = arith.constant 0 : i32
          %add3A_1232 = arith.addi %mul3A_1230, %add3A_1231 : i32
          %add3A_1233 = arith.constant 0 : i32
          %add3A_1234 = arith.addi %mul3A_0, %add3A_1233 : i32
          %get3A_1235 = arith.index_cast %add3A_1232 : i32 to index
          %get3A_1236 = tpu.vector_load %arg7[%get3A_1235] {strides = array<i32>} : memref<65536xf32, #tpu.memory_space<vmem>>, vector<16xf32>,
          %get3A_1237 = vector.shape_cast %get3A_1236 : vector<16xf32> to vector<16xf32>
          %get3A_1238 = arith.index_cast %add3A_1228 : i32 to index
          %get3A_1239 = arith.index_cast %add3A_1234 : i32 to index
          %get3A_1240 = tpu.vector_load %arg5[%get3A_1238, %get3A_1239] {strides = array<i32>} : memref<400x128xf32, #tpu.memory_space<vmem>>, vector<1x16xf32>,
          %get3A_1241 = vector.shape_cast %get3A_1240 : vector<1x16xf32> to vector<16xf32>
          %max3A_1242 = arith.maximumf %get3A_1237, %get3A_1241 : vector<16xf32>
          %swap3A_1243 = arith.index_cast %add3A_1232 : i32 to index
          %swap3A_1244 = tpu.vector_load %arg7[%swap3A_1243] {strides = array<i32>} : memref<65536xf32, #tpu.memory_space<vmem>>, vector<16xf32>,
          %swap3A_1245 = vector.shape_cast %swap3A_1244 : vector<16xf32> to vector<16xf32>
          %swap3A_1246 = vector.shape_cast %max3A_1242 : vector<16xf32> to vector<16xf32>
          tpu.vector_store %arg7[%swap3A_1243], %swap3A_1246 {strides = array<i32>} : memref<65536xf32, #tpu.memory_space<vmem>>, vector<16xf32>,
          %mul3A_1247 = arith.constant 64 : i32
          %mul3A_1248 = arith.muli %squeeze3A_1224, %mul3A_1247 : i32
          %add3A_1249 = arith.constant 16 : i32
          %add3A_1250 = arith.addi %mul3A_1248, %add3A_1249 : i32
          %add3A_1251 = arith.constant 16 : i32
          %add3A_1252 = arith.addi %mul3A_0, %add3A_1251 : i32
          %get3A_1253 = arith.index_cast %add3A_1250 : i32 to index
          %get3A_1254 = tpu.vector_load %arg7[%get3A_1253] {strides = array<i32>} : memref<65536xf32, #tpu.memory_space<vmem>>, vector<16xf32>,
          %get3A_1255 = vector.shape_cast %get3A_1254 : vector<16xf32> to vector<16xf32>
          %get3A_1256 = arith.index_cast %add3A_1228 : i32 to index
          %get3A_1257 = arith.index_cast %add3A_1252 : i32 to index
          %get3A_1258 = tpu.vector_load %arg5[%get3A_1256, %get3A_1257] {strides = array<i32>} : memref<400x128xf32, #tpu.memory_space<vmem>>, vector<1x16xf32>,
          %get3A_1259 = vector.shape_cast %get3A_1258 : vector<1x16xf32> to vector<16xf32>
          %max3A_1260 = arith.maximumf %get3A_1255, %get3A_1259 : vector<16xf32>
          %swap3A_1261 = arith.index_cast %add3A_1250 : i32 to index
          %swap3A_1262 = tpu.vector_load %arg7[%swap3A_1261] {strides = array<i32>} : memref<65536xf32, #tpu.memory_space<vmem>>, vector<16xf32>,
          %swap3A_1263 = vector.shape_cast %swap3A_1262 : vector<16xf32> to vector<16xf32>
          %swap3A_1264 = vector.shape_cast %max3A_1260 : vector<16xf32> to vector<16xf32>
          tpu.vector_store %arg7[%swap3A_1261], %swap3A_1264 {strides = array<i32>} : memref<65536xf32, #tpu.memory_space<vmem>>, vector<16xf32>,
          %mul3A_1265 = arith.constant 64 : i32
          %mul3A_1266 = arith.muli %squeeze3A_1224, %mul3A_1265 : i32
          %add3A_1267 = arith.constant 32 : i32
          %add3A_1268 = arith.addi %mul3A_1266, %add3A_1267 : i32
          %add3A_1269 = arith.constant 32 : i32
          %add3A_1270 = arith.addi %mul3A_0, %add3A_1269 : i32
          %get3A_1271 = arith.index_cast %add3A_1268 : i32 to index
          %get3A_1272 = tpu.vector_load %arg7[%get3A_1271] {strides = array<i32>} : memref<65536xf32, #tpu.memory_space<vmem>>, vector<16xf32>,
          %get3A_1273 = vector.shape_cast %get3A_1272 : vector<16xf32> to vector<16xf32>
          %get3A_1274 = arith.index_cast %add3A_1228 : i32 to index
          %get3A_1275 = arith.index_cast %add3A_1270 : i32 to index
          %get3A_1276 = tpu.vector_load %arg5[%get3A_1274, %get3A_1275] {strides = array<i32>} : memref<400x128xf32, #tpu.memory_space<vmem>>, vector<1x16xf32>,
          %get3A_1277 = vector.shape_cast %get3A_1276 : vector<1x16xf32> to vector<16xf32>
          %max3A_1278 = arith.maximumf %get3A_1273, %get3A_1277 : vector<16xf32>
          %swap3A_1279 = arith.index_cast %add3A_1268 : i32 to index
          %swap3A_1280 = tpu.vector_load %arg7[%swap3A_1279] {strides = array<i32>} : memref<65536xf32, #tpu.memory_space<vmem>>, vector<16xf32>,
          %swap3A_1281 = vector.shape_cast %swap3A_1280 : vector<16xf32> to vector<16xf32>
          %swap3A_1282 = vector.shape_cast %max3A_1278 : vector<16xf32> to vector<16xf32>
          tpu.vector_store %arg7[%swap3A_1279], %swap3A_1282 {strides = array<i32>} : memref<65536xf32, #tpu.memory_space<vmem>>, vector<16xf32>,
          %mul3A_1283 = arith.constant 64 : i32
          %mul3A_1284 = arith.muli %squeeze3A_1224, %mul3A_1283 : i32
          %add3A_1285 = arith.constant 48 : i32
          %add3A_1286 = arith.addi %mul3A_1284, %add3A_1285 : i32
          %add3A_1287 = arith.constant 48 : i32
          %add3A_1288 = arith.addi %mul3A_0, %add3A_1287 : i32
          %get3A_1289 = arith.index_cast %add3A_1286 : i32 to index
          %get3A_1290 = tpu.vector_load %arg7[%get3A_1289] {strides = array<i32>} : memref<65536xf32, #tpu.memory_space<vmem>>, vector<16xf32>,
          %get3A_1291 = vector.shape_cast %get3A_1290 : vector<16xf32> to vector<16xf32>
          %get3A_1292 = arith.index_cast %add3A_1228 : i32 to index
          %get3A_1293 = arith.index_cast %add3A_1288 : i32 to index
          %get3A_1294 = tpu.vector_load %arg5[%get3A_1292, %get3A_1293] {strides = array<i32>} : memref<400x128xf32, #tpu.memory_space<vmem>>, vector<1x16xf32>,
          %get3A_1295 = vector.shape_cast %get3A_1294 : vector<1x16xf32> to vector<16xf32>
          %max3A_1296 = arith.maximumf %get3A_1291, %get3A_1295 : vector<16xf32>
          %swap3A_1297 = arith.index_cast %add3A_1286 : i32 to index
          %swap3A_1298 = tpu.vector_load %arg7[%swap3A_1297] {strides = array<i32>} : memref<65536xf32, #tpu.memory_space<vmem>>, vector<16xf32>,
          %swap3A_1299 = vector.shape_cast %swap3A_1298 : vector<16xf32> to vector<16xf32>
          %swap3A_1300 = vector.shape_cast %max3A_1296 : vector<16xf32> to vector<16xf32>
          tpu.vector_store %arg7[%swap3A_1297], %swap3A_1300 {strides = array<i32>} : memref<65536xf32, #tpu.memory_space<vmem>>, vector<16xf32>,
        }
        %scan3A_51 = arith.constant 25 : i32
      } else {
      }
    }
    %scan3A_12 = arith.constant 16 : i32
    %broadcast_in_dim3A_13 = arith.constant 0.000000e+00 : f32
    %broadcast_in_dim3A_14 = vector.broadcast %broadcast_in_dim3A_13 : f32 to vector<16xf32>
    %mul3A_15 = arith.constant 16 : i32
    %mul3A_16 = arith.muli %arg0, %mul3A_15 : i32
    %add3A = arith.addi %mul3A_16, %arg1 : i32
    %mul3A_17 = arith.constant 65536 : i32
    %mul3A_18 = arith.muli %add3A, %mul3A_17 : i32
    "tpu.region"() ({
      %run_scoped3A = tpu.sem_alloc : memref<!tpu.dma_semaphore, #tpu.memory_space<semaphore_mem>>
      %dma_start3A = tpu.memref_slice %arg8[%mul3A_18] : memref<2097152xf32, #tpu.memory_space<hbm>> -> memref<65536xf32, #tpu.memory_space<hbm>>
      %dma_start3A_38 = tpu.memref_slice %arg8[%mul3A_18] : memref<2097152xf32, #tpu.memory_space<hbm>> -> memref<65536xf32, #tpu.memory_space<hbm>>
      tpu.enqueue_dma source(%arg7 : memref<65536xf32, #tpu.memory_space<vmem>>) target(%dma_start3A_38 : memref<65536xf32, #tpu.memory_space<hbm>>) target_semaphore(%run_scoped3A : memref<!tpu.dma_semaphore, #tpu.memory_space<semaphore_mem>>)
      %dma_wait3A = tpu.memref_slice %arg8[%mul3A_18] : memref<2097152xf32, #tpu.memory_space<hbm>> -> memref<65536xf32, #tpu.memory_space<hbm>>
      %dma_wait3A_39 = tpu.memref_slice %arg8[%mul3A_18] : memref<2097152xf32, #tpu.memory_space<hbm>> -> memref<65536xf32, #tpu.memory_space<hbm>>
      tpu.wait_dma2 semaphore(%run_scoped3A : memref<!tpu.dma_semaphore, #tpu.memory_space<semaphore_mem>>) src(%arg7 : memref<65536xf32, #tpu.memory_space<vmem>>) dst(%dma_wait3A_39 : memref<65536xf32, #tpu.memory_space<hbm>>)
      tpu.yield
    }) : () -> ()
    %barrier3A = arith.constant 0 : index
    tpu.barrier barrier_id(%barrier3A)
    %mul3A_19 = arith.constant 4096 : i32
    %mul3A_20 = arith.muli %arg1, %mul3A_19 : i32
    %mul3A_21 = arith.constant 16 : i32
    %mul3A_22 = arith.muli %arg0, %mul3A_21 : i32
    %mul3A_23 = arith.constant 65536 : i32
    %mul3A_24 = arith.muli %mul3A_22, %mul3A_23 : i32
    %add3A_25 = arith.addi %mul3A_24, %mul3A_20 : i32
    "tpu.region"() ({
      %run_scoped3A = tpu.sem_alloc : memref<!tpu.dma_semaphore, #tpu.memory_space<semaphore_mem>>
      %dma_start3A = tpu.memref_slice %arg8[%add3A_25] : memref<2097152xf32, #tpu.memory_space<hbm>> -> memref<4096xf32, #tpu.memory_space<hbm>>
      %dma_start3A_38 = tpu.memref_slice %arg8[%add3A_25] : memref<2097152xf32, #tpu.memory_space<hbm>> -> memref<4096xf32, #tpu.memory_space<hbm>>
      tpu.enqueue_dma source(%dma_start3A_38 : memref<4096xf32, #tpu.memory_space<hbm>>) target(%arg9 : memref<4096xf32, #tpu.memory_space<vmem>>) target_semaphore(%run_scoped3A : memref<!tpu.dma_semaphore, #tpu.memory_space<semaphore_mem>>)
      %dma_wait3A = tpu.memref_slice %arg8[%add3A_25] : memref<2097152xf32, #tpu.memory_space<hbm>> -> memref<4096xf32, #tpu.memory_space<hbm>>
      %dma_wait3A_39 = tpu.memref_slice %arg8[%add3A_25] : memref<2097152xf32, #tpu.memory_space<hbm>> -> memref<4096xf32, #tpu.memory_space<hbm>>
      tpu.wait_dma2 semaphore(%run_scoped3A : memref<!tpu.dma_semaphore, #tpu.memory_space<semaphore_mem>>) src(%dma_wait3A_39 : memref<4096xf32, #tpu.memory_space<hbm>>) dst(%arg9 : memref<4096xf32, #tpu.memory_space<vmem>>)
      tpu.yield
    }) : () -> ()
    %scan3A_26 = arith.constant 0 : i32
    %scan3A_27 = arith.constant 1 : i32
    %scan3A_28 = arith.constant 15 : i32
    %scan3A_29 = arith.addi %scan3A_27, %scan3A_28 : i32
    %scan3A_30 = arith.constant 1 : i32
    scf.for %scan3A_38 = %scan3A_27 to %scan3A_29 step %scan3A_30  : i32 {
      %mul3A_39 = arith.constant 16 : i32
      %mul3A_40 = arith.muli %arg0, %mul3A_39 : i32
      %add3A_41 = arith.addi %mul3A_40, %scan3A_38 : i32
      %mul3A_42 = arith.constant 65536 : i32
      %mul3A_43 = arith.muli %add3A_41, %mul3A_42 : i32
      %add3A_44 = arith.addi %mul3A_43, %mul3A_20 : i32
      "tpu.region"() ({
        %run_scoped3A = tpu.sem_alloc : memref<!tpu.dma_semaphore, #tpu.memory_space<semaphore_mem>>
        %dma_start3A = tpu.memref_slice %arg8[%add3A_44] : memref<2097152xf32, #tpu.memory_space<hbm>> -> memref<4096xf32, #tpu.memory_space<hbm>>
        %dma_start3A_51 = tpu.memref_slice %arg8[%add3A_44] : memref<2097152xf32, #tpu.memory_space<hbm>> -> memref<4096xf32, #tpu.memory_space<hbm>>
        tpu.enqueue_dma source(%dma_start3A_51 : memref<4096xf32, #tpu.memory_space<hbm>>) target(%arg10 : memref<4096xf32, #tpu.memory_space<vmem>>) target_semaphore(%run_scoped3A : memref<!tpu.dma_semaphore, #tpu.memory_space<semaphore_mem>>)
        %dma_wait3A = tpu.memref_slice %arg8[%add3A_44] : memref<2097152xf32, #tpu.memory_space<hbm>> -> memref<4096xf32, #tpu.memory_space<hbm>>
        %dma_wait3A_52 = tpu.memref_slice %arg8[%add3A_44] : memref<2097152xf32, #tpu.memory_space<hbm>> -> memref<4096xf32, #tpu.memory_space<hbm>>
        tpu.wait_dma2 semaphore(%run_scoped3A : memref<!tpu.dma_semaphore, #tpu.memory_space<semaphore_mem>>) src(%dma_wait3A_52 : memref<4096xf32, #tpu.memory_space<hbm>>) dst(%arg10 : memref<4096xf32, #tpu.memory_space<vmem>>)
        tpu.yield
      }) : () -> ()
      %scan3A_45 = arith.constant 0 : i32
      %scan3A_46 = arith.constant 0 : i32
      %scan3A_47 = arith.constant 256 : i32
      %scan3A_48 = arith.addi %scan3A_46, %scan3A_47 : i32
      %scan3A_49 = arith.constant 1 : i32
      scf.for %scan3A_51 = %scan3A_46 to %scan3A_48 step %scan3A_49  : i32 {
        %mul3A_52 = arith.constant 16 : i32
        %mul3A_53 = arith.muli %scan3A_51, %mul3A_52 : i32
        %get3A = arith.index_cast %mul3A_53 : i32 to index
        %get3A_54 = tpu.vector_load %arg9[%get3A] {strides = array<i32>} : memref<4096xf32, #tpu.memory_space<vmem>>, vector<16xf32>,
        %get3A_55 = vector.shape_cast %get3A_54 : vector<16xf32> to vector<16xf32>
        %get3A_56 = arith.index_cast %mul3A_53 : i32 to index
        %get3A_57 = tpu.vector_load %arg10[%get3A_56] {strides = array<i32>} : memref<4096xf32, #tpu.memory_space<vmem>>, vector<16xf32>,
        %get3A_58 = vector.shape_cast %get3A_57 : vector<16xf32> to vector<16xf32>
        %max3A = arith.maximumf %get3A_55, %get3A_58 : vector<16xf32>
        %swap3A = arith.index_cast %mul3A_53 : i32 to index
        %swap3A_59 = tpu.vector_load %arg9[%swap3A] {strides = array<i32>} : memref<4096xf32, #tpu.memory_space<vmem>>, vector<16xf32>,
        %swap3A_60 = vector.shape_cast %swap3A_59 : vector<16xf32> to vector<16xf32>
        %swap3A_61 = vector.shape_cast %max3A : vector<16xf32> to vector<16xf32>
        tpu.vector_store %arg9[%swap3A], %swap3A_61 {strides = array<i32>} : memref<4096xf32, #tpu.memory_space<vmem>>, vector<16xf32>,
      }
      %scan3A_50 = arith.constant 256 : i32
    }
    %scan3A_31 = arith.constant 15 : i32
    %scan3A_32 = arith.constant 0 : i32
    %scan3A_33 = arith.constant 0 : i32
    %scan3A_34 = arith.constant 256 : i32
    %scan3A_35 = arith.addi %scan3A_33, %scan3A_34 : i32
    %scan3A_36 = arith.constant 1 : i32
    scf.for %scan3A_38 = %scan3A_33 to %scan3A_35 step %scan3A_36  : i32 {
      %mul3A_39 = arith.constant 16 : i32
      %mul3A_40 = arith.muli %scan3A_38, %mul3A_39 : i32
      %get3A = arith.index_cast %mul3A_40 : i32 to index
      %get3A_41 = tpu.vector_load %arg9[%get3A] {strides = array<i32>} : memref<4096xf32, #tpu.memory_space<vmem>>, vector<16xf32>,
      %get3A_42 = vector.shape_cast %get3A_41 : vector<16xf32> to vector<16xf32>
      %eq3A = arith.constant 0xFF800000 : f32
      %eq3A_43 = vector.broadcast %eq3A : f32 to vector<16xf32>
      %eq3A_44 = arith.cmpf oeq, %get3A_42, %eq3A_43 : vector<16xf32>
      %select_n3A = arith.select %eq3A_44, %broadcast_in_dim3A_14, %get3A_42 : vector<16xi1>, vector<16xf32>
      %swap3A = arith.index_cast %mul3A_40 : i32 to index
      %swap3A_45 = tpu.vector_load %arg9[%swap3A] {strides = array<i32>} : memref<4096xf32, #tpu.memory_space<vmem>>, vector<16xf32>,
      %swap3A_46 = vector.shape_cast %swap3A_45 : vector<16xf32> to vector<16xf32>
      %swap3A_47 = vector.shape_cast %select_n3A : vector<16xf32> to vector<16xf32>
      tpu.vector_store %arg9[%swap3A], %swap3A_47 {strides = array<i32>} : memref<4096xf32, #tpu.memory_space<vmem>>, vector<16xf32>,
    }
    %scan3A_37 = arith.constant 256 : i32
    "tpu.region"() ({
      %run_scoped3A = tpu.sem_alloc : memref<!tpu.dma_semaphore, #tpu.memory_space<semaphore_mem>>
      %dma_start3A = tpu.memref_slice %arg4[%arg0, %mul3A_20] : memref<2x65536xf32, #tpu.memory_space<hbm>> -> memref<1x4096xf32, #tpu.memory_space<hbm>>
      %dma_start3A_38 = tpu.memref_squeeze %dma_start3A : memref<1x4096xf32, #tpu.memory_space<hbm>> -> memref<4096xf32, #tpu.memory_space<hbm>>
      %dma_start3A_39 = tpu.memref_slice %arg4[%arg0, %mul3A_20] : memref<2x65536xf32, #tpu.memory_space<hbm>> -> memref<1x4096xf32, #tpu.memory_space<hbm>>
      %dma_start3A_40 = tpu.memref_squeeze %dma_start3A_39 : memref<1x4096xf32, #tpu.memory_space<hbm>> -> memref<4096xf32, #tpu.memory_space<hbm>>
      tpu.enqueue_dma source(%arg9 : memref<4096xf32, #tpu.memory_space<vmem>>) target(%dma_start3A_40 : memref<4096xf32, #tpu.memory_space<hbm>>) target_semaphore(%run_scoped3A : memref<!tpu.dma_semaphore, #tpu.memory_space<semaphore_mem>>)
      %dma_wait3A = tpu.memref_slice %arg4[%arg0, %mul3A_20] : memref<2x65536xf32, #tpu.memory_space<hbm>> -> memref<1x4096xf32, #tpu.memory_space<hbm>>
      %dma_wait3A_41 = tpu.memref_squeeze %dma_wait3A : memref<1x4096xf32, #tpu.memory_space<hbm>> -> memref<4096xf32, #tpu.memory_space<hbm>>
      %dma_wait3A_42 = tpu.memref_slice %arg4[%arg0, %mul3A_20] : memref<2x65536xf32, #tpu.memory_space<hbm>> -> memref<1x4096xf32, #tpu.memory_space<hbm>>
      %dma_wait3A_43 = tpu.memref_squeeze %dma_wait3A_42 : memref<1x4096xf32, #tpu.memory_space<hbm>> -> memref<4096xf32, #tpu.memory_space<hbm>>
      tpu.wait_dma2 semaphore(%run_scoped3A : memref<!tpu.dma_semaphore, #tpu.memory_space<semaphore_mem>>) src(%arg9 : memref<4096xf32, #tpu.memory_space<vmem>>) dst(%dma_wait3A_43 : memref<4096xf32, #tpu.memory_space<hbm>>)
      tpu.yield
    }) : () -> ()
    return
  }
}

module attributes {stable_mosaic.version = 14 : i64} {
  func.func @_cluster_body(%arg0: memref<784x128xf32, #tpu.memory_space<vmem>>, %arg1: memref<784x128xf32, #tpu.memory_space<vmem>>, %arg2: memref<784x128xi32, #tpu.memory_space<vmem>>, %arg3: memref<784x128xi32, #tpu.memory_space<vmem>>) attributes {dimension_semantics = [], scalar_prefetch = 0 : i64, scratch_operands = 0 : i64, tpu.core_type = #tpu.core_type<tc>} {
    %get3A = arith.constant 0 : index
    %get3A_0 = arith.constant 0 : index
    %get3A_1 = vector.load %arg0[%get3A, %get3A_0] : memref<784x128xf32, #tpu.memory_space<vmem>>, vector<784x128xf32>
    %get3A_2 = arith.constant 0 : index
    %get3A_3 = arith.constant 0 : index
    %get3A_4 = vector.load %arg1[%get3A_2, %get3A_3] : memref<784x128xf32, #tpu.memory_space<vmem>>, vector<784x128xf32>
    %get3A_5 = arith.constant 0 : index
    %get3A_6 = arith.constant 0 : index
    %get3A_7 = vector.load %arg2[%get3A_5, %get3A_6] : memref<784x128xi32, #tpu.memory_space<vmem>>, vector<784x128xi32>
    %reduce_min3A = vector.shape_cast %get3A_1 : vector<784x128xf32> to vector<1x784x128xf32>
    %reduce_min3A_8 = arith.constant dense<0x7F800000> : vector<1xf32>
    %reduce_min3A_9 = vector.multi_reduction <minimumf>, %reduce_min3A, %reduce_min3A_8 [1, 2] : vector<1x784x128xf32> to vector<1xf32>
    %reduce_min3A_10 = vector.shape_cast %reduce_min3A_9 : vector<1xf32> to vector<1x1x1xf32>
    %reduce_min3A_11 = vector.extract %reduce_min3A_10[0, 0, 0] : f32 from vector<1x1x1xf32>
    %reduce_max3A = vector.shape_cast %get3A_1 : vector<784x128xf32> to vector<1x784x128xf32>
    %reduce_max3A_12 = arith.constant dense<0xFF800000> : vector<1xf32>
    %reduce_max3A_13 = vector.multi_reduction <maximumf>, %reduce_max3A, %reduce_max3A_12 [1, 2] : vector<1x784x128xf32> to vector<1xf32>
    %reduce_max3A_14 = vector.shape_cast %reduce_max3A_13 : vector<1xf32> to vector<1x1x1xf32>
    %reduce_max3A_15 = vector.extract %reduce_max3A_14[0, 0, 0] : f32 from vector<1x1x1xf32>
    %reduce_min3A_16 = vector.shape_cast %get3A_4 : vector<784x128xf32> to vector<1x784x128xf32>
    %reduce_min3A_17 = arith.constant dense<0x7F800000> : vector<1xf32>
    %reduce_min3A_18 = vector.multi_reduction <minimumf>, %reduce_min3A_16, %reduce_min3A_17 [1, 2] : vector<1x784x128xf32> to vector<1xf32>
    %reduce_min3A_19 = vector.shape_cast %reduce_min3A_18 : vector<1xf32> to vector<1x1x1xf32>
    %reduce_min3A_20 = vector.extract %reduce_min3A_19[0, 0, 0] : f32 from vector<1x1x1xf32>
    %reduce_max3A_21 = vector.shape_cast %get3A_4 : vector<784x128xf32> to vector<1x784x128xf32>
    %reduce_max3A_22 = arith.constant dense<0xFF800000> : vector<1xf32>
    %reduce_max3A_23 = vector.multi_reduction <maximumf>, %reduce_max3A_21, %reduce_max3A_22 [1, 2] : vector<1x784x128xf32> to vector<1xf32>
    %reduce_max3A_24 = vector.shape_cast %reduce_max3A_23 : vector<1xf32> to vector<1x1x1xf32>
    %reduce_max3A_25 = vector.extract %reduce_max3A_24[0, 0, 0] : f32 from vector<1x1x1xf32>
    %sub3A = vector.broadcast %reduce_min3A_11 : f32 to vector<784x128xf32>
    %sub3A_26 = arith.subf %get3A_1, %sub3A : vector<784x128xf32>
    %div3A = arith.constant 1.250000e-01 : f32
    %div3A_27 = vector.broadcast %div3A : f32 to vector<784x128xf32>
    %div3A_28 = arith.divf %sub3A_26, %div3A_27 : vector<784x128xf32>
    %floor3A = math.floor %div3A_28 : vector<784x128xf32>
    %convert_element_type3A = arith.fptosi %floor3A : vector<784x128xf32> to vector<784x128xi32>
    %sub3A_29 = vector.broadcast %reduce_min3A_20 : f32 to vector<784x128xf32>
    %sub3A_30 = arith.subf %get3A_4, %sub3A_29 : vector<784x128xf32>
    %div3A_31 = arith.constant 1.250000e-01 : f32
    %div3A_32 = vector.broadcast %div3A_31 : f32 to vector<784x128xf32>
    %div3A_33 = arith.divf %sub3A_30, %div3A_32 : vector<784x128xf32>
    %floor3A_34 = math.floor %div3A_33 : vector<784x128xf32>
    %convert_element_type3A_35 = arith.fptosi %floor3A_34 : vector<784x128xf32> to vector<784x128xi32>
    %sub3A_36 = arith.subf %reduce_max3A_15, %reduce_min3A_11 : f32
    %div3A_37 = arith.constant 1.250000e-01 : f32
    %div3A_38 = arith.divf %sub3A_36, %div3A_37 : f32
    %floor3A_39 = math.floor %div3A_38 : f32
    %convert_element_type3A_40 = arith.fptosi %floor3A_39 : f32 to i32
    %add3A = arith.constant 1 : i32
    %add3A_41 = arith.addi %convert_element_type3A_40, %add3A : i32
    %sub3A_42 = arith.subf %reduce_max3A_25, %reduce_min3A_20 : f32
    %div3A_43 = arith.constant 1.250000e-01 : f32
    %div3A_44 = arith.divf %sub3A_42, %div3A_43 : f32
    %floor3A_45 = math.floor %div3A_44 : f32
    %convert_element_type3A_46 = arith.fptosi %floor3A_45 : f32 to i32
    %add3A_47 = arith.constant 1 : i32
    %add3A_48 = arith.addi %convert_element_type3A_46, %add3A_47 : i32
    %reduce_min3A_49 = vector.shape_cast %get3A_7 : vector<784x128xi32> to vector<1x784x128xi32>
    %reduce_min3A_50 = arith.constant dense<2147483647> : vector<1xi32>
    %reduce_min3A_51 = vector.multi_reduction <minsi>, %reduce_min3A_49, %reduce_min3A_50 [1, 2] : vector<1x784x128xi32> to vector<1xi32>
    %reduce_min3A_52 = vector.shape_cast %reduce_min3A_51 : vector<1xi32> to vector<1x1x1xi32>
    %reduce_min3A_53 = vector.extract %reduce_min3A_52[0, 0, 0] : i32 from vector<1x1x1xi32>
    %mul3A = vector.broadcast %add3A_41 : i32 to vector<784x128xi32>
    %mul3A_54 = arith.muli %convert_element_type3A_35, %mul3A : vector<784x128xi32>
    %add3A_55 = arith.addi %convert_element_type3A, %mul3A_54 : vector<784x128xi32>
    %sub3A_56 = vector.broadcast %reduce_min3A_53 : i32 to vector<784x128xi32>
    %sub3A_57 = arith.subi %get3A_7, %sub3A_56 : vector<784x128xi32>
    %mul3A_58 = arith.muli %add3A_41, %add3A_48 : i32
    %mul3A_59 = vector.broadcast %mul3A_58 : i32 to vector<784x128xi32>
    %mul3A_60 = arith.muli %sub3A_57, %mul3A_59 : vector<784x128xi32>
    %add3A_61 = arith.addi %add3A_55, %mul3A_60 : vector<784x128xi32>
    %swap3A = arith.constant 0 : index
    %swap3A_62 = arith.constant 0 : index
    %swap3A_63 = vector.load %arg3[%swap3A, %swap3A_62] : memref<784x128xi32, #tpu.memory_space<vmem>>, vector<784x128xi32>
    tpu.vector_store %arg3[%swap3A, %swap3A_62], %add3A_61 {strides = array<i32>} : memref<784x128xi32, #tpu.memory_space<vmem>>, vector<784x128xi32>,
    return
  }
}

</mosaic_0001>

<sc_bundles>
// kernel: kernel.4.cloned.1.call-start
scs
__scs_entry_jumppad:
0x0: {  	(pc) =	sbr.rel $0x88, $3  }
0x1: {  	(tag) =	ssettag $0x0;
	lr =	simm.s32 $0x1  }
0x2: {  	[smem:$0x3F9E] =	sst lr;
	_ =	strace $0xD0000000  }
0x3: {  	_ = 	snop  }
0x4: {  	_ = 	snop  }
0x5: {  	_ = 	snop  }
0x6: {  	_ = 	snop  }
0x7: {  	_ = 	snop  }
__scs_overlays_trampoline_lowered:
0x8: {  	[smem:$0x3FAD] =	sst s0  }
0x9: {  	[smem:$0x3FAE] =	sst s1  }
0xa: {  	[smem:$0x3FAF] =	sst s2  }
0xb: {  	[smem:$0x3FB0] =	sst s3  }
0xc: {  	[smem:$0x3FB1] =	sst s4  }
0xd: {  	[smem:$0x3FB2] =	sst s5  }
0xe: {  	[smem:$0x3FB3] =	sst s6  }
0xf: {  	[smem:$0x3FB4] =	sst s7  }
0x10: {  	[smem:$0x3FB5] =	sst s8  }
0x11: {  	[smem:$0x3FB6] =	sst s9;
	s0 =	simm.s32 @!p0 $0x0  }
0x12: {  	s1 =	sld [smem:$0x3F9C];
	s0 =	simm.s32 @p0 $0x1  }
0x13: {  	[smem:$0x3FB7] =	sst s0;
	s0 =	simm.s32 @!p1 $0x0  }
0x14: {  	s2 =	sld [smem:$0x3F9B];
	s0 =	simm.s32 @p1 $0x1  }
0x15: {  	[smem:$0x3FB8] =	sst s0;
	s0 =	simm.s32 @!p2 $0x0  }
0x16: {  	s3 =	sld [smem:$0x3FDB];
	s0 =	simm.s32 @p2 $0x1  }
0x17: {  	s4 =	simm.s32 $0x1BF5;
	[smem:$0x3FBA] =	sst s0  }
0x18: {  	s0 =	sld [smem:$0x3F9D];
	_ =	swait.ge [sflag:s4], $0x0  }
0x19: {  	s7 =	sld [smem:$0x3F9E]  }
0x1a: {  	s8 =	sadd.s32 $0xFFFFE003, lr  }
0x1b: {  	s9 =	sadd.s32 $0xFFFFFEF7, lr;
	s5 =	simm.s32 $0xFFFFFFFF;
	p2 =	slt.u32 s8, $0xFFFFF086  }
0x1c: {  	p1 =	slt.u32 s9, $0xF7A;
	s5 =	simm.s32 @!p2 $0x0  }
0x1d: {  	s5 =	simm.s32 @p1 $0x1;
	p0 =	seq.s32 s7, s2  }
0x1e: {  	s7 =	smul.u32 @!p0 $0xF7A, s2;
	p2 =	seq.s32 @!p0 s5, $0x0  }
0x1f: {  	s9 =	smul.u32 $0xF7A, s1;
	s8 =	simm.s32 @!p0 $0x1BF5;
	p2 =	por !p2, p0  }
0x20: {  	[sflag:s8] =	ssyncset.s32 @!p0 $0xFFFFF086;
	s6 =	sadd.s32 @!p0 s3, s7;
	s7 =	simm.s32 @!p0 $0x108  }
0x21: {  	s3 =	sadd.s32 s3, s9;
	s6 =	sadd.s32 @!p0 $0x88, s6;
	s7 =	simm.s32 @p2 $0x1082  }
0x22: {  	[simem:s7], [sflag:s8] =	dma.local @!p0 [hbm:s6], $0xF7A  }
0x23: {  	s9 =	sor.u32 $0xD0000000, s2;
	s6 =	simm.s32 $0x108;
	_ =	swait.ge @!p0 [sflag:s8], $0x0  }
0x24: {  	s3 =	sadd.s32 $0x88, s3;
	s6 =	simm.s32 @!p1 $0x1082;
	[sflag:s4] =	ssyncset.s32 $0xFFFFF086  }
0x25: {  	[simem:s6], [sflag:s4] =	dma.local [hbm:s3], $0xF7A  }
0x26: {  	[smem:$0x3F9E] =	sst s1;
	(tag) =	ssettag s2;
	_ =	strace s9  }
0x27: {  	s1 =	sld [smem:$0x3FAE]  }
0x28: {  	s2 =	sld [smem:$0x3FAF]  }
0x29: {  	s4 =	sld [smem:$0x3FB1]  }
0x2a: {  	p0 =	seq.s32 s5, $0x0;
	s5 =	sld [smem:$0x3FB2]  }
0x2b: {  	s6 =	sld [smem:$0x3FB3]  }
0x2c: {  	s7 =	sld [smem:$0x3FB4]  }
0x2d: {  	s3 =	simm.s32 $0x108;
	s8 =	sld [smem:$0x3FB5]  }
0x2e: {  	s3 =	simm.s32 @!p0 $0x1082;
	s9 =	sld [smem:$0x3FB6]  }
0x2f: {  	lr =	sadd.s32 s0, s3;
	s0 =	sld [smem:$0x3FAD]  }
0x30: {  	s3 =	sld [smem:$0x3FB0]  }
0x31: {  	[smem:$0x3FB9] =	sst s10  }
0x32: {  	s10 =	sld [smem:$0x3FB7];
	_ =	sdelay $0x3  }
0x33: {  	p0 =	seq.s32 s10, $0x1;
	s10 =	sld [smem:$0x3FB9];
	_ =	sdelay $0x3  }
0x34: {  	[smem:$0x3FB9] =	sst s10  }
0x35: {  	s10 =	sld [smem:$0x3FB8];
	_ =	sdelay $0x3  }
0x36: {  	p1 =	seq.s32 s10, $0x1;
	s10 =	sld [smem:$0x3FB9];
	_ =	sdelay $0x3  }
0x37: {  	[smem:$0x3FB9] =	sst s10  }
0x38: {  	s10 =	sld [smem:$0x3FBA]  }
0x39: {  	_ = 	snop;
	(pc) =	sbr.ind lr, $3  }
0x3a: {  	_ = 	snop  }
0x3b: {  	_ = 	snop  }
0x3c: {  	p2 =	seq.s32 s10, $0x1;
	s10 =	sld [smem:$0x3FB9]  }
0x3d: {  	_ =	shalt  }
0x3e: {  	_ =	shalt  }
0x3f: {  	_ =	shalt  }
0x40: {  	_ =	shalt  }
0x41: {  	_ =	shalt  }
0x42: {  	_ =	shalt  }
0x43: {  	_ =	shalt  }
0x44: {  	_ =	shalt  }
0x45: {  	_ =	shalt  }
0x46: {  	_ =	shalt  }
0x47: {  	_ =	shalt  }
0x48: {  	_ =	shalt  }
0x49: {  	_ =	shalt  }
0x4a: {  	_ =	shalt  }
0x4b: {  	_ =	shalt  }
0x4c: {  	_ =	shalt  }
0x4d: {  	_ =	shalt  }
0x4e: {  	_ =	shalt  }
0x4f: {  	_ =	shalt  }
0x50: {  	_ =	shalt  }
0x51: {  	_ =	shalt  }
0x52: {  	_ =	shalt  }
0x53: {  	_ =	shalt  }
0x54: {  	_ =	shalt  }
0x55: {  	_ =	shalt  }
0x56: {  	_ =	shalt  }
0x57: {  	_ =	shalt  }
0x58: {  	_ =	shalt  }
0x59: {  	_ =	shalt  }
0x5a: {  	_ =	shalt  }
0x5b: {  	_ =	shalt  }
0x5c: {  	_ =	shalt  }
0x5d: {  	_ =	shalt  }
0x5e: {  	_ =	shalt  }
0x5f: {  	_ =	shalt  }
0x60: {  	_ =	shalt  }
0x61: {  	_ =	shalt  }
0x62: {  	_ =	shalt  }
0x63: {  	_ =	shalt  }
0x64: {  	_ =	shalt  }
0x65: {  	_ =	shalt  }
0x66: {  	_ =	shalt  }
0x67: {  	_ =	shalt  }
0x68: {  	_ =	shalt  }
0x69: {  	_ =	shalt  }
0x6a: {  	_ =	shalt  }
0x6b: {  	_ =	shalt  }
0x6c: {  	_ =	shalt  }
0x6d: {  	_ =	shalt  }
0x6e: {  	_ =	shalt  }
0x6f: {  	_ =	shalt  }
0x70: {  	_ =	shalt  }
0x71: {  	_ =	shalt  }
0x72: {  	_ =	shalt  }
0x73: {  	_ =	shalt  }
0x74: {  	_ =	shalt  }
0x75: {  	_ =	shalt  }
0x76: {  	_ =	shalt  }
0x77: {  	_ =	shalt  }
0x78: {  	_ =	shalt  }
0x79: {  	_ =	shalt  }
0x7a: {  	_ =	shalt  }
0x7b: {  	_ =	shalt  }
0x7c: {  	_ =	shalt  }
0x7d: {  	_ =	shalt  }
0x7e: {  	_ =	shalt  }
0x7f: {  	_ =	shalt  }
0x80: {  	_ =	shalt  }
0x81: {  	_ =	shalt  }
0x82: {  	_ =	shalt  }
0x83: {  	_ =	shalt  }
0x84: {  	_ =	shalt  }
0x85: {  	_ =	shalt  }
0x86: {  	_ =	shalt  }
0x87: {  	_ =	shalt  }
.Lfunc_end0:
.L_simem_size_0:
called_computation_lowered:
.L_overlay_start_0:
0x88: {  	s2 =	sld [smem:$0x3FD9]  }
0x89: {  	s3 =	sld [smem:$0x3FFE];
	_ =	sdelay $0x1  }
0x8a: {  	s1 =	srdreg.scid  }
0x8b: {  	s0 =	sand.u32 $0x1, s1  }
0x8c: {  	s18 =	sshll.u32 s0, $0xA;
	s2 =	sadd.s32 s3, s2  }
0x8d: {  	s3 =	sadd.s32 s2, s18  }
0x8e: {  	[smem:$0x3FC5] =	sst s3  }
0x8f: {  	_ = 	snop  }
0x90: {  	s3 =	sld [smem:$0x3FC9]  }
0x91: {  	s4 =	sld [smem:$0x3FD0];
	(tm) =	ssettm $0x1  }
0x92: {  	s5 =	sld [smem:$0x3FFB];
	_ =	sdelay $0x3  }
0x93: {  	_ =	strace s5  }
0x94: {  	s5 =	sld [smem:$0x3FFC];
	_ =	sdelay $0x3  }
0x95: {  	_ =	strace s5  }
0x96: {  	s5 =	sld [smem:$0x3FFD];
	_ =	sdelay $0x3  }
0x97: {  	_ =	strace s5  }
0x98: {  	_ =	strace $0x8FFFFFFF  }
0x99: {  	s19 =	sld [smem:$0x3FDB];
	_ =	sdelay $0x1  }
0x9a: {  	s6 =	simm.s32 $_scs_section_size  }
0x9b: {  	s7 =	simm.s32 $_size__tile_overlayer_lowered;
	s8 =	simm.s32 $_tile_overlayer_lowered  }
0x9c: {  	s22 =	simm.s32 $0x1BFF;
	s21 =	sshll.u32 s8, $0x1;
	s5 =	sadd.s32 s6, s19  }
0x9d: {  	s9 =	simm.s32 $0x0;
	s20 =	sshll.u32 s7, $0x1;
	s7 =	sadd.s32 s21, s5  }
0x9e: {  	[timem:s9], [sflag:s22] =	dma.local [hbm:s7], s20  }
0x9f: {  	_ =	swait.ge [sflag:s22], s20  }
0xa0: {  	s6 =	ssub.s32 $0x0, s20;
	[sflag:s22] =	ssyncset.done $0x0  }
0xa1: {  	[sflag:s22] =	ssyncadd.s32 s6;
	_ =	sdelay $0x1  }
0xa2: {  	s23 =	simm.s32 $0x1B8B  }
0xa3: {  	_ =	swait.ge [sflag:s23], $0x1  }
0xa4: {  	[sflag:s23] =	ssyncset.done $0x0  }
0xa5: {  	s25 =	simm.s32 $0x1B8E;
	s24 =	sld [smem:$0x3FFE];
	[sflag:s23] =	ssyncadd.s32 $0xFFFFFFFF  }
0xa6: {  	s26 =	simm.s32 $execute0_lowered;
	[smem:$0x3FD2] =	sst s25  }
0xa7: {  	s7 =	sshll.u32 s26, $0x1;
	_ =	strace $0x80000046;
	[dreg:$0x1] =	wrdreg $0xFFFFFFFF  }
0xa8: {  	s28 =	simm.s32 $_size_execute0_lowered;
	s5 =	sadd.s32 s5, s7;
	[dreg:$0x0] =	wrdreg $0x0  }
0xa9: {  	s7 =	sshll.u32 s28, $0x1;
	[dreg:$0x2] =	wrdreg s5  }
0xaa: {  	[dreg:$0x3] =	wrdreg s7  }
0xab: {  	[dreg:$0x4] =	wrdreg $0xC0  }
0xac: {  	_ =	task [dreg:s9], $0x5FFFF  }
0xad: {  	[dreg:$0x1] =	wrdreg $0xFFFFFFFF  }
0xae: {  	[dreg:$0x0] =	wrdreg $0x60  }
0xaf: {  	[dreg:$0x2] =	wrdreg s3  }
0xb0: {  	[dreg:$0x3] =	wrdreg s24  }
0xb1: {  	s2 =	sadd.s32 $0x800, s2;
	[dreg:$0x4] =	wrdreg s4  }
0xb2: {  	[dreg:$0x5] =	wrdreg s2  }
0xb3: {  	[dreg:$0x6] =	wrdreg $0x9  }
0xb4: {  	_ =	task.clear_ibuf [dreg:s9], $0x7FFFF;
	_ =	strace $0x90000046  }
0xb5: {  	s29 =	simm.s32 $0x9;
	_ =	strace $0x80000048  }
0xb6: {  	_ =	swait.ge [sflag:s29], $0x1  }
0xb7: {  	[sflag:s29] =	ssyncadd.s32 $0xFFFFFFFF  }
0xb8: {  	_ =	strace $0x90000048  }
0xb9: {  	_ =	sfence  }
0xba: {  	s30 =	sld [smem:$0x0];
	_ =	sdelay $0x2  }
0xbb: {  	s31 =	sshll.u32 s1, $0xD;
	s1 =	sshrl.u32 s1, $0x2  }
0xbc: {  	s3 =	sand.u32 $0x4000, s31;
	s1 =	sadd.s32 s1, s30  }
0xbd: {  	s0 =	sor.u32 s3, s0;
	s1 =	sshll.u32 s1, $0x11  }
0xbe: {  	s0 =	sor.u32 s1, s0  }
0xbf: {  	s0 =	sadd.s32 $0x8F2B, s0  }
0xc0: {  	[sflag:s0] =	ssyncadd.remote.s32 $0x1  }
0xc1: {  	_ =	sfence.sel $0xFFFF  }
0xc2: {  	[dreg:$0x0] =	wrdreg $0xFFFFFFFF;
	(pc) =	sbr.abs _section_cstart, $3  }
0xc3: {  	[dreg:$0x1] =	wrdreg $0xFFFFFFFF  }
0xc4: {  	_ =	task.clear_ibuf [dreg:s9], $0x2FFFF;
	_ =	strace $0x9FFFFFFF  }
0xc5: {  	(tm) =	ssettm $0x7FFFFFFF  }
tec
execute0_lowered:
.L_overlay_start_1:
0x0: {  	(tag) =	ssettag $0x1  }
0x1: {  	s1 =	rddreg [dreg:$0x0]  }
0x2: {  	s2 =	rddreg [dreg:$0x1]  }
0x3: {  	s8 =	rddreg [dreg:$0x2]  }
0x4: {  	s3 =	rddreg [dreg:$0x3]  }
0x5: {  	s4 =	srdreg.scid;
	s0 =	rddreg [dreg:$0x4];
	s5 =	simm.s32 $0x0  }
0x6: {  	s14 =	simm.s32 $0xCA00;
	s16 =	simm.s32 $0x1CA00;
	s17 =	simm.s32 $0x1DA00  }
0x7: {  	s18 =	simm.s32 $0x80;
	s19 =	simm.s32 $0x100;
	s20 =	simm.s32 $0x0  }
0x8: {  	s9 =	sand.u32 $0x1, s4;
	[smem:$0x7FF] =	sst s5;
	s4 =	stileid.u32  }
0x9: {  	s7 =	ssub.s32 $0x2, s9;
	s6 =	sshll.u32 s9, $0x4;
	_ =	strace $0x80000047  }
0xa: {  	s11 =	sshll.u32 s9, $0x14;
	s12 =	sshll.u32 s4, $0xA;
	s31 =	sshll.u32 s9, $0x6  }
0xb: {  	s10 =	sshrl.u32 s7, $0x1;
	s30 =	sor.u32 s4, s6;
	s8 =	sadd.s32 s8, s6  }
0xc: {  	s10 =	ssub.s32 s7, s10;
	s13 =	sshll.u32 s30, $0xD;
	s7 =	sshll.u32 s4, $0xC  }
0xd: {  	s8 =	sadd.s32 s12, s8;
	s12 =	simm.s32 $0x1;
	s11 =	sor.u32 s7, s11  }
0xe: {  	s9 =	smax.u32 s10, $0x1;
	s10 =	sor.u32 $0x400, s31;
	s15 =	sshrl.u32 s11, $0x3  }
0xf: {  	v0 =	vimm.f32 $-Inf;
	s13 =	sadd.s32 s13, s3;
	s11 =	simm.s32 $0xC800;
	s15 =	sadd.s32 s15, s3  }
.LBB2_1:
0x10: {  	s21 =	simm.s32 $0x0  }
.LBB2_2:
0x11: {  	p0 =	sne.s32 s21, $0x3FFC0  }
.Ltmp0:
0x12: {  	_ = 	snop;
	(pc) =	sbr.rel @p0 .LBB2_2-.Ltmp0, $3  }
0x13: {  	_ =	sdelay $0x1  }
0x14: {  	s22 =	sshra.s32 s21, $0x2  }
0x15: {  	s21 =	sadd.s32 $0x40, s21;
	[tilespmem:s22+$0xCA00] =	vst v0  }
.Ltmp1:
0x16: {  	(pc) =	sbr.rel .LBB2_4-.Ltmp1, $2  }
0x17: {  	_ =	sdelay $0x2  }
0x18: {  	s21 =	simm.s32 $0x0  }
.LBB2_7:
0x19: {  	s21 =	sadd.s32 $0x1, s21  }
0x1a: {  	p0 =	sne.s32 s21, $0x10  }
.Ltmp2:
0x1b: {  	_ = 	snop;
	(pc) =	sbr.rel @!p0 .LBB2_8-.Ltmp2, $1  }
0x1c: {  	_ =	sdelay $0x3  }
.LBB2_4:
0x1d: {  	s22 =	sshll.u32 s21, $0x4  }
0x1e: {  	s23 =	sor.u32 s4, s22  }
0x1f: {  	p0 =	sgt.u32 s23, $0xF9  }
.Ltmp3:
0x20: {  	_ = 	snop;
	(pc) =	sbr.rel @p0 .LBB2_7-.Ltmp3, $1  }
0x21: {  	_ =	sdelay $0x3  }
0x22: {  	s22 =	smul.u32 $0x32, s23;
	_ =	sdelay $0x1  }
0x23: {  	s24 =	sadd.s32 s2, s22;
	s22 =	simm.s32 $0x0  }
0x24: {  	[tilespmem:s11], [sflag:$0x1] =	stream.linear.gather [hbm4b:s24+s22], $0x190, $0x38;
	[tilespmem:$0x1EA00] =	vst v63  }
0x25: {  	s31 =	smul.u32 $0x1900, s23;
	_ =	swait.ge [sflag:s12], $0x190  }
0x26: {  	[sflag:s12] =	ssyncset.done $0x0  }
0x27: {  	s23 =	sadd.s32 s1, s31;
	[sflag:s12] =	ssyncadd.s32 $0xFFFFFE70  }
0x28: {  	[tilespmem:s22], [sflag:$0x1] =	stream.linear.gather [hbm4b:s23+s22], $0xC800, $0x38;
	[tilespmem:$0x1EA00] =	vst v63  }
0x29: {  	_ =	swait.ge [sflag:s12], $0xC800  }
0x2a: {  	[sflag:s12] =	ssyncset.done $0x0  }
0x2b: {  	s23 =	smov.u32 s10;
	[sflag:s12] =	ssyncadd.s32 $0xFFFF3800  }
.LBB2_6:
0x2c: {  	s24 =	sshra.s32 s22, $0x2  }
0x2d: {  	v1 =	vld [tilespmem:s24+$0xC800];
	_ =	sdelay $0x4  }
0x2e: {  	v1 =	vshll.u32 v1, $0x8  }
0x2f: {  	v1 =	vshra.s32 v1, $0x2  }
0x30: {  	(v2sf) =	vpush v1, $0x0;
	_ =	sdelay $0xe  }
0x31: {  	v3 =	vld [tilespmem:s23+$0xFFFFFC00];
	s28 =	spop (v2sf)  }
0x32: {  	v2 =	vld [tilespmem:s28+$0xCA00];
	_ =	sdelay $0x4  }
0x33: {  	v2 =	vmax.f32 v2, v3  }
0x34: {  	[tilespmem:s28+$0xCA00] =	vst v2;
	v2 =	vld [tilespmem:s28+$0xCA10]  }
0x35: {  	v3 =	vld [tilespmem:s23+$0xFFFFFC10];
	_ =	sdelay $0x4  }
0x36: {  	(v2sf) =	vpush v1, $0x1;
	v2 =	vmax.f32 v2, v3  }
0x37: {  	[tilespmem:s28+$0xCA10] =	vst v2;
	v2 =	vld [tilespmem:s28+$0xCA20]  }
0x38: {  	v3 =	vld [tilespmem:s23+$0xFFFFFC20];
	_ =	sdelay $0x4  }
0x39: {  	v2 =	vmax.f32 v2, v3  }
0x3a: {  	[tilespmem:s28+$0xCA20] =	vst v2;
	v2 =	vld [tilespmem:s28+$0xCA30]  }
0x3b: {  	v3 =	vld [tilespmem:s23+$0xFFFFFC30];
	_ =	sdelay $0x4  }
0x3c: {  	v2 =	vmax.f32 v2, v3  }
0x3d: {  	s29 =	spop (v2sf);
	[tilespmem:s28+$0xCA30] =	vst v2  }
0x3e: {  	v2 =	vld [tilespmem:s29+$0xCA00]  }
0x3f: {  	v3 =	vld [tilespmem:s23+$0xFFFFFC80];
	_ =	sdelay $0x4  }
0x40: {  	v2 =	vmax.f32 v2, v3  }
0x41: {  	[tilespmem:s29+$0xCA00] =	vst v2;
	v2 =	vld [tilespmem:s29+$0xCA10]  }
0x42: {  	v3 =	vld [tilespmem:s23+$0xFFFFFC90];
	_ =	sdelay $0x4  }
0x43: {  	(v2sf) =	vpush v1, $0x2;
	v2 =	vmax.f32 v2, v3  }
0x44: {  	[tilespmem:s29+$0xCA10] =	vst v2;
	v2 =	vld [tilespmem:s29+$0xCA20]  }
0x45: {  	v3 =	vld [tilespmem:s23+$0xFFFFFCA0];
	_ =	sdelay $0x4  }
0x46: {  	v2 =	vmax.f32 v2, v3  }
0x47: {  	[tilespmem:s29+$0xCA20] =	vst v2;
	v2 =	vld [tilespmem:s29+$0xCA30]  }
0x48: {  	v3 =	vld [tilespmem:s23+$0xFFFFFCB0];
	_ =	sdelay $0x4  }
0x49: {  	v2 =	vmax.f32 v2, v3  }
0x4a: {  	s30 =	spop (v2sf);
	[tilespmem:s29+$0xCA30] =	vst v2  }
0x4b: {  	v2 =	vld [tilespmem:s30+$0xCA00]  }
0x4c: {  	v3 =	vld [tilespmem:s23+$0xFFFFFD00];
	_ =	sdelay $0x4  }
0x4d: {  	v2 =	vmax.f32 v2, v3  }
0x4e: {  	[tilespmem:s30+$0xCA00] =	vst v2;
	v2 =	vld [tilespmem:s30+$0xCA10]  }
0x4f: {  	v3 =	vld [tilespmem:s23+$0xFFFFFD10];
	_ =	sdelay $0x4  }
0x50: {  	(v2sf) =	vpush v1, $0x3;
	v2 =	vmax.f32 v2, v3  }
0x51: {  	[tilespmem:s30+$0xCA10] =	vst v2;
	v2 =	vld [tilespmem:s30+$0xCA20]  }
0x52: {  	v3 =	vld [tilespmem:s23+$0xFFFFFD20];
	_ =	sdelay $0x4  }
0x53: {  	v2 =	vmax.f32 v2, v3  }
0x54: {  	[tilespmem:s30+$0xCA20] =	vst v2;
	v2 =	vld [tilespmem:s30+$0xCA30]  }
0x55: {  	v3 =	vld [tilespmem:s23+$0xFFFFFD30];
	_ =	sdelay $0x4  }
0x56: {  	v2 =	vmax.f32 v2, v3  }
0x57: {  	s31 =	spop (v2sf);
	[tilespmem:s30+$0xCA30] =	vst v2  }
0x58: {  	v2 =	vld [tilespmem:s31+$0xCA00]  }
0x59: {  	v3 =	vld [tilespmem:s23+$0xFFFFFD80];
	_ =	sdelay $0x4  }
0x5a: {  	v2 =	vmax.f32 v2, v3  }
0x5b: {  	[tilespmem:s31+$0xCA00] =	vst v2;
	v2 =	vld [tilespmem:s31+$0xCA10]  }
0x5c: {  	v3 =	vld [tilespmem:s23+$0xFFFFFD90];
	_ =	sdelay $0x4  }
0x5d: {  	(v2sf) =	vpush v1, $0x4;
	v2 =	vmax.f32 v2, v3  }
0x5e: {  	[tilespmem:s31+$0xCA10] =	vst v2;
	v2 =	vld [tilespmem:s31+$0xCA20]  }
0x5f: {  	v3 =	vld [tilespmem:s23+$0xFFFFFDA0];
	_ =	sdelay $0x4  }
0x60: {  	v2 =	vmax.f32 v2, v3  }
0x61: {  	[tilespmem:s31+$0xCA20] =	vst v2;
	v2 =	vld [tilespmem:s31+$0xCA30]  }
0x62: {  	v3 =	vld [tilespmem:s23+$0xFFFFFDB0];
	_ =	sdelay $0x4  }
0x63: {  	v2 =	vmax.f32 v2, v3  }
0x64: {  	s25 =	spop (v2sf);
	[tilespmem:s31+$0xCA30] =	vst v2  }
0x65: {  	v2 =	vld [tilespmem:s25+$0xCA00]  }
0x66: {  	v3 =	vld [tilespmem:s23+$0xFFFFFE00];
	_ =	sdelay $0x4  }
0x67: {  	v2 =	vmax.f32 v2, v3  }
0x68: {  	[tilespmem:s25+$0xCA00] =	vst v2;
	v2 =	vld [tilespmem:s25+$0xCA10]  }
0x69: {  	v3 =	vld [tilespmem:s23+$0xFFFFFE10];
	_ =	sdelay $0x4  }
0x6a: {  	(v2sf) =	vpush v1, $0x5;
	v2 =	vmax.f32 v2, v3  }
0x6b: {  	[tilespmem:s25+$0xCA10] =	vst v2;
	v2 =	vld [tilespmem:s25+$0xCA20]  }
0x6c: {  	v3 =	vld [tilespmem:s23+$0xFFFFFE20];
	_ =	sdelay $0x4  }
0x6d: {  	v2 =	vmax.f32 v2, v3  }
0x6e: {  	[tilespmem:s25+$0xCA20] =	vst v2;
	v2 =	vld [tilespmem:s25+$0xCA30]  }
0x6f: {  	v3 =	vld [tilespmem:s23+$0xFFFFFE30];
	_ =	sdelay $0x4  }
0x70: {  	v2 =	vmax.f32 v2, v3  }
0x71: {  	s26 =	spop (v2sf);
	[tilespmem:s25+$0xCA30] =	vst v2  }
0x72: {  	v2 =	vld [tilespmem:s26+$0xCA00]  }
0x73: {  	v3 =	vld [tilespmem:s23+$0xFFFFFE80];
	_ =	sdelay $0x4  }
0x74: {  	v2 =	vmax.f32 v2, v3  }
0x75: {  	[tilespmem:s26+$0xCA00] =	vst v2;
	v2 =	vld [tilespmem:s26+$0xCA10]  }
0x76: {  	v3 =	vld [tilespmem:s23+$0xFFFFFE90];
	_ =	sdelay $0x4  }
0x77: {  	(v2sf) =	vpush v1, $0x6;
	v2 =	vmax.f32 v2, v3  }
0x78: {  	[tilespmem:s26+$0xCA10] =	vst v2;
	v2 =	vld [tilespmem:s26+$0xCA20]  }
0x79: {  	v3 =	vld [tilespmem:s23+$0xFFFFFEA0];
	_ =	sdelay $0x4  }
0x7a: {  	v2 =	vmax.f32 v2, v3  }
0x7b: {  	[tilespmem:s26+$0xCA20] =	vst v2;
	v2 =	vld [tilespmem:s26+$0xCA30]  }
0x7c: {  	v3 =	vld [tilespmem:s23+$0xFFFFFEB0];
	_ =	sdelay $0x4  }
0x7d: {  	v2 =	vmax.f32 v2, v3  }
0x7e: {  	s28 =	spop (v2sf);
	[tilespmem:s26+$0xCA30] =	vst v2  }
0x7f: {  	v2 =	vld [tilespmem:s28+$0xCA00]  }
0x80: {  	v3 =	vld [tilespmem:s23+$0xFFFFFF00];
	_ =	sdelay $0x4  }
0x81: {  	v2 =	vmax.f32 v2, v3  }
0x82: {  	[tilespmem:s28+$0xCA00] =	vst v2;
	v2 =	vld [tilespmem:s28+$0xCA10]  }
0x83: {  	v3 =	vld [tilespmem:s23+$0xFFFFFF10];
	_ =	sdelay $0x4  }
0x84: {  	(v2sf) =	vpush v1, $0x7;
	v2 =	vmax.f32 v2, v3  }
0x85: {  	[tilespmem:s28+$0xCA10] =	vst v2;
	v2 =	vld [tilespmem:s28+$0xCA20]  }
0x86: {  	v3 =	vld [tilespmem:s23+$0xFFFFFF20];
	_ =	sdelay $0x4  }
0x87: {  	v2 =	vmax.f32 v2, v3  }
0x88: {  	[tilespmem:s28+$0xCA20] =	vst v2;
	v2 =	vld [tilespmem:s28+$0xCA30]  }
0x89: {  	v3 =	vld [tilespmem:s23+$0xFFFFFF30];
	_ =	sdelay $0x4  }
0x8a: {  	v2 =	vmax.f32 v2, v3  }
0x8b: {  	s29 =	spop (v2sf);
	[tilespmem:s28+$0xCA30] =	vst v2  }
0x8c: {  	v2 =	vld [tilespmem:s29+$0xCA00]  }
0x8d: {  	v3 =	vld [tilespmem:s23+$0xFFFFFF80];
	_ =	sdelay $0x4  }
0x8e: {  	v2 =	vmax.f32 v2, v3  }
0x8f: {  	[tilespmem:s29+$0xCA00] =	vst v2;
	v2 =	vld [tilespmem:s29+$0xCA10]  }
0x90: {  	v3 =	vld [tilespmem:s23+$0xFFFFFF90];
	_ =	sdelay $0x4  }
0x91: {  	(v2sf) =	vpush v1, $0x8;
	v2 =	vmax.f32 v2, v3  }
0x92: {  	[tilespmem:s29+$0xCA10] =	vst v2;
	v2 =	vld [tilespmem:s29+$0xCA20]  }
0x93: {  	v3 =	vld [tilespmem:s23+$0xFFFFFFA0];
	_ =	sdelay $0x4  }
0x94: {  	v2 =	vmax.f32 v2, v3  }
0x95: {  	[tilespmem:s29+$0xCA20] =	vst v2;
	v2 =	vld [tilespmem:s29+$0xCA30]  }
0x96: {  	v3 =	vld [tilespmem:s23+$0xFFFFFFB0];
	_ =	sdelay $0x4  }
0x97: {  	v2 =	vmax.f32 v2, v3  }
0x98: {  	s30 =	spop (v2sf);
	[tilespmem:s29+$0xCA30] =	vst v2  }
0x99: {  	v2 =	vld [tilespmem:s30+$0xCA00]  }
0x9a: {  	v3 =	vld [tilespmem:s23+$0x0];
	_ =	sdelay $0x4  }
0x9b: {  	v2 =	vmax.f32 v2, v3  }
0x9c: {  	[tilespmem:s30+$0xCA00] =	vst v2;
	v2 =	vld [tilespmem:s30+$0xCA10]  }
0x9d: {  	v3 =	vld [tilespmem:s23+$0x10];
	_ =	sdelay $0x4  }
0x9e: {  	(v2sf) =	vpush v1, $0x9;
	v2 =	vmax.f32 v2, v3  }
0x9f: {  	[tilespmem:s30+$0xCA10] =	vst v2;
	v2 =	vld [tilespmem:s30+$0xCA20]  }
0xa0: {  	v3 =	vld [tilespmem:s23+$0x20];
	_ =	sdelay $0x4  }
0xa1: {  	v2 =	vmax.f32 v2, v3  }
0xa2: {  	[tilespmem:s30+$0xCA20] =	vst v2;
	v2 =	vld [tilespmem:s30+$0xCA30]  }
0xa3: {  	v3 =	vld [tilespmem:s23+$0x30];
	_ =	sdelay $0x4  }
0xa4: {  	v2 =	vmax.f32 v2, v3  }
0xa5: {  	s31 =	spop (v2sf);
	[tilespmem:s30+$0xCA30] =	vst v2  }
0xa6: {  	v2 =	vld [tilespmem:s31+$0xCA00]  }
0xa7: {  	v3 =	vld [tilespmem:s23+$0x80];
	_ =	sdelay $0x4  }
0xa8: {  	v2 =	vmax.f32 v2, v3  }
0xa9: {  	[tilespmem:s31+$0xCA00] =	vst v2;
	v2 =	vld [tilespmem:s31+$0xCA10]  }
0xaa: {  	v3 =	vld [tilespmem:s23+$0x90];
	_ =	sdelay $0x4  }
0xab: {  	(v2sf) =	vpush v1, $0xA;
	v2 =	vmax.f32 v2, v3  }
0xac: {  	[tilespmem:s31+$0xCA10] =	vst v2;
	v2 =	vld [tilespmem:s31+$0xCA20]  }
0xad: {  	v3 =	vld [tilespmem:s23+$0xA0];
	_ =	sdelay $0x4  }
0xae: {  	v2 =	vmax.f32 v2, v3  }
0xaf: {  	[tilespmem:s31+$0xCA20] =	vst v2;
	v2 =	vld [tilespmem:s31+$0xCA30]  }
0xb0: {  	v3 =	vld [tilespmem:s23+$0xB0];
	_ =	sdelay $0x4  }
0xb1: {  	v2 =	vmax.f32 v2, v3  }
0xb2: {  	s25 =	spop (v2sf);
	[tilespmem:s31+$0xCA30] =	vst v2  }
0xb3: {  	v2 =	vld [tilespmem:s25+$0xCA00]  }
0xb4: {  	v3 =	vld [tilespmem:s23+$0x100];
	_ =	sdelay $0x4  }
0xb5: {  	v2 =	vmax.f32 v2, v3  }
0xb6: {  	[tilespmem:s25+$0xCA00] =	vst v2;
	v2 =	vld [tilespmem:s25+$0xCA10]  }
0xb7: {  	v3 =	vld [tilespmem:s23+$0x110];
	_ =	sdelay $0x4  }
0xb8: {  	(v2sf) =	vpush v1, $0xB;
	v2 =	vmax.f32 v2, v3  }
0xb9: {  	[tilespmem:s25+$0xCA10] =	vst v2;
	v2 =	vld [tilespmem:s25+$0xCA20]  }
0xba: {  	v3 =	vld [tilespmem:s23+$0x120];
	_ =	sdelay $0x4  }
0xbb: {  	v2 =	vmax.f32 v2, v3  }
0xbc: {  	[tilespmem:s25+$0xCA20] =	vst v2;
	v2 =	vld [tilespmem:s25+$0xCA30]  }
0xbd: {  	v3 =	vld [tilespmem:s23+$0x130];
	_ =	sdelay $0x4  }
0xbe: {  	v2 =	vmax.f32 v2, v3  }
0xbf: {  	s26 =	spop (v2sf);
	[tilespmem:s25+$0xCA30] =	vst v2  }
0xc0: {  	v2 =	vld [tilespmem:s26+$0xCA00]  }
0xc1: {  	v3 =	vld [tilespmem:s23+$0x180];
	_ =	sdelay $0x4  }
0xc2: {  	v2 =	vmax.f32 v2, v3  }
0xc3: {  	[tilespmem:s26+$0xCA00] =	vst v2;
	v2 =	vld [tilespmem:s26+$0xCA10]  }
0xc4: {  	v3 =	vld [tilespmem:s23+$0x190];
	_ =	sdelay $0x4  }
0xc5: {  	(v2sf) =	vpush v1, $0xC;
	v2 =	vmax.f32 v2, v3  }
0xc6: {  	[tilespmem:s26+$0xCA10] =	vst v2;
	v2 =	vld [tilespmem:s26+$0xCA20]  }
0xc7: {  	v3 =	vld [tilespmem:s23+$0x1A0];
	_ =	sdelay $0x4  }
0xc8: {  	v2 =	vmax.f32 v2, v3  }
0xc9: {  	[tilespmem:s26+$0xCA20] =	vst v2;
	v2 =	vld [tilespmem:s26+$0xCA30]  }
0xca: {  	v3 =	vld [tilespmem:s23+$0x1B0];
	_ =	sdelay $0x4  }
0xcb: {  	v2 =	vmax.f32 v2, v3  }
0xcc: {  	s28 =	spop (v2sf);
	[tilespmem:s26+$0xCA30] =	vst v2  }
0xcd: {  	v2 =	vld [tilespmem:s28+$0xCA00]  }
0xce: {  	v3 =	vld [tilespmem:s23+$0x200];
	_ =	sdelay $0x4  }
0xcf: {  	v2 =	vmax.f32 v2, v3  }
0xd0: {  	[tilespmem:s28+$0xCA00] =	vst v2;
	v2 =	vld [tilespmem:s28+$0xCA10]  }
0xd1: {  	v3 =	vld [tilespmem:s23+$0x210];
	_ =	sdelay $0x4  }
0xd2: {  	(v2sf) =	vpush v1, $0xD;
	v2 =	vmax.f32 v2, v3  }
0xd3: {  	[tilespmem:s28+$0xCA10] =	vst v2;
	v2 =	vld [tilespmem:s28+$0xCA20]  }
0xd4: {  	v3 =	vld [tilespmem:s23+$0x220];
	_ =	sdelay $0x4  }
0xd5: {  	v2 =	vmax.f32 v2, v3  }
0xd6: {  	[tilespmem:s28+$0xCA20] =	vst v2;
	v2 =	vld [tilespmem:s28+$0xCA30]  }
0xd7: {  	v3 =	vld [tilespmem:s23+$0x230];
	_ =	sdelay $0x4  }
0xd8: {  	v2 =	vmax.f32 v2, v3  }
0xd9: {  	s29 =	spop (v2sf);
	[tilespmem:s28+$0xCA30] =	vst v2  }
0xda: {  	v2 =	vld [tilespmem:s29+$0xCA00]  }
0xdb: {  	v3 =	vld [tilespmem:s23+$0x280];
	_ =	sdelay $0x4  }
0xdc: {  	v2 =	vmax.f32 v2, v3  }
0xdd: {  	[tilespmem:s29+$0xCA00] =	vst v2;
	v2 =	vld [tilespmem:s29+$0xCA10]  }
0xde: {  	v3 =	vld [tilespmem:s23+$0x290];
	_ =	sdelay $0x4  }
0xdf: {  	(v2sf) =	vpush v1, $0xE;
	v2 =	vmax.f32 v2, v3  }
0xe0: {  	[tilespmem:s29+$0xCA10] =	vst v2;
	v2 =	vld [tilespmem:s29+$0xCA20]  }
0xe1: {  	v3 =	vld [tilespmem:s23+$0x2A0];
	_ =	sdelay $0x4  }
0xe2: {  	v2 =	vmax.f32 v2, v3  }
0xe3: {  	[tilespmem:s29+$0xCA20] =	vst v2;
	v2 =	vld [tilespmem:s29+$0xCA30]  }
0xe4: {  	v3 =	vld [tilespmem:s23+$0x2B0];
	_ =	sdelay $0x4  }
0xe5: {  	v2 =	vmax.f32 v2, v3  }
0xe6: {  	s30 =	spop (v2sf);
	[tilespmem:s29+$0xCA30] =	vst v2  }
0xe7: {  	v2 =	vld [tilespmem:s30+$0xCA00]  }
0xe8: {  	v3 =	vld [tilespmem:s23+$0x300];
	_ =	sdelay $0x4  }
0xe9: {  	v2 =	vmax.f32 v2, v3  }
0xea: {  	[tilespmem:s30+$0xCA00] =	vst v2;
	v2 =	vld [tilespmem:s30+$0xCA10]  }
0xeb: {  	v3 =	vld [tilespmem:s23+$0x310];
	_ =	sdelay $0x4  }
0xec: {  	(v2sf) =	vpush v1, $0xF;
	v2 =	vmax.f32 v2, v3  }
0xed: {  	v1 =	vld [tilespmem:s30+$0xCA20];
	[tilespmem:s30+$0xCA10] =	vst v2  }
0xee: {  	v2 =	vld [tilespmem:s23+$0x320];
	_ =	sdelay $0x4  }
0xef: {  	v1 =	vmax.f32 v1, v2  }
0xf0: {  	[tilespmem:s30+$0xCA20] =	vst v1;
	v1 =	vld [tilespmem:s30+$0xCA30]  }
0xf1: {  	v2 =	vld [tilespmem:s23+$0x330];
	_ =	sdelay $0x4  }
0xf2: {  	v1 =	vmax.f32 v1, v2  }
0xf3: {  	s31 =	spop (v2sf);
	[tilespmem:s30+$0xCA30] =	vst v1  }
0xf4: {  	v1 =	vld [tilespmem:s31+$0xCA00]  }
0xf5: {  	v2 =	vld [tilespmem:s23+$0x380];
	_ =	sdelay $0x4  }
0xf6: {  	v1 =	vmax.f32 v1, v2  }
0xf7: {  	[tilespmem:s31+$0xCA00] =	vst v1;
	v1 =	vld [tilespmem:s31+$0xCA10]  }
0xf8: {  	v2 =	vld [tilespmem:s23+$0x390];
	_ =	sdelay $0x4  }
0xf9: {  	v1 =	vmax.f32 v1, v2  }
0xfa: {  	[tilespmem:s31+$0xCA10] =	vst v1;
	v1 =	vld [tilespmem:s31+$0xCA20]  }
0xfb: {  	v2 =	vld [tilespmem:s23+$0x3A0];
	_ =	sdelay $0x4  }
0xfc: {  	v1 =	vmax.f32 v1, v2  }
0xfd: {  	[tilespmem:s31+$0xCA20] =	vst v1;
	v1 =	vld [tilespmem:s31+$0xCA30]  }
0xfe: {  	v2 =	vld [tilespmem:s23+$0x3B0]  }
0xff: {  	p0 =	sne.s32 s22, $0x600  }
.Ltmp4:
0x100: {  	_ = 	snop;
	(pc) =	sbr.rel @p0 .LBB2_6-.Ltmp4, $3  }
0x101: {  	_ =	sdelay $0x1  }
0x102: {  	v1 =	vmax.f32 v1, v2  }
0x103: {  	s22 =	sadd.s32 $0x40, s22;
	s23 =	sadd.s32 $0x800, s23;
	[tilespmem:s31+$0xCA30] =	vst v1  }
.Ltmp5:
0x104: {  	_ = 	snop;
	(pc) =	sbr.rel .LBB2_7-.Ltmp5, $1  }
0x105: {  	_ =	sdelay $0x3  }
.LBB2_8:
0x106: {  	[hbm4b:s13+s5] =	stream.linear.scatter [tilespmem:s14], [sflag:$0x1], $0x10000, $0x38;
	[tilespmem:$0x1EA00] =	vst v63  }
0x107: {  	s21 =	simm.s32 $0x1  }
0x108: {  	_ =	swait.ge [sflag:s21], $0x10000  }
0x109: {  	[sflag:s21] =	ssyncset.done $0x0  }
0x10a: {  	[sflag:s21] =	ssyncadd.s32 $0xFFFF0000  }
0x10b: {  	[bflag:$0x0] =	sbarrier.arrive $0xFFFF  }
0x10c: {  	[tilespmem:s16], [sflag:$0x1] =	stream.linear.gather [hbm4b:s15+s5], $0x1000, $0x38;
	[tilespmem:$0x1EA00] =	vst v63  }
0x10d: {  	_ =	swait.ge [sflag:s21], $0x1000  }
0x10e: {  	[sflag:s21] =	ssyncset.done $0x0  }
0x10f: {  	[sflag:s21] =	ssyncadd.s32 $0xFFFFF000  }
.LBB2_9:
0x110: {  	s22 =	sadd.s32 s6, s21  }
0x111: {  	s22 =	sshll.u32 s22, $0x10  }
0x112: {  	s22 =	sor.u32 s7, s22  }
0x113: {  	s22 =	sshrl.u32 s22, $0x3  }
0x114: {  	s23 =	simm.s32 $0x0;
	s22 =	sadd.s32 s3, s22  }
0x115: {  	[tilespmem:s17], [sflag:$0x1] =	stream.linear.gather [hbm4b:s22+s23], $0x1000, $0x38;
	[tilespmem:$0x1EA00] =	vst v63  }
0x116: {  	_ =	swait.ge [sflag:s12], $0x1000  }
0x117: {  	[sflag:s12] =	ssyncset.done $0x0  }
0x118: {  	s22 =	simm.s32 $0x0;
	[sflag:s12] =	ssyncadd.s32 $0xFFFFF000  }
0x119: {  	s23 =	simm.s32 $0x40;
	v1 =	vld [tilespmem:s22+$0x1DA00]  }
.LBB2_10:
0x11a: {  	p0 =	sne.s32 s23, $0x3FC0;
	v2 =	vld [tilespmem:s22+$0x1CA00];
	_ =	sdelay $0x1  }
.Ltmp6:
0x11b: {  	(pc) =	sbr.rel @p0 .LBB2_10-.Ltmp6, $3  }
0x11c: {  	_ =	sdelay $0x1  }
0x11d: {  	s24 =	sshra.s32 s23, $0x2;
	v2 =	vmax.f32 v2, v1  }
0x11e: {  	s23 =	sadd.s32 $0x40, s23;
	v1 =	vld [tilespmem:s24+$0x1DA00];
	[tilespmem:s22+$0x1CA00] =	vst v2;
	s22 =	smov.u32 s24  }
0x11f: {  	v2 =	vld [tilespmem:s22+$0x1CA00];
	s21 =	sadd.s32 $0x1, s21  }
0x120: {  	p0 =	sne.s32 s21, $0x10  }
.Ltmp7:
0x121: {  	_ = 	snop;
	(pc) =	sbr.rel @p0 .LBB2_9-.Ltmp7, $3  }
0x122: {  	_ =	sdelay $0x1  }
0x123: {  	v1 =	vmax.f32 v2, v1  }
0x124: {  	[tilespmem:s22+$0x1CA00] =	vst v1  }
0x125: {  	s21 =	simm.s32 $0x0;
	s22 =	simm.s32 $0x40  }
.LBB2_13:
0x126: {  	p0 =	sne.s32 s22, $0x3FC0;
	v1 =	vld [tilespmem:s21+$0x1CA00];
	_ =	sdelay $0x2  }
.Ltmp8:
0x127: {  	(pc) =	sbr.rel @p0 .LBB2_13-.Ltmp8, $4  }
0x128: {  	_ = 	snop  }
0x129: {  	vm0 =	veq.f32 v1, $-Inf  }
0x12a: {  	v1 =	vsel vm0, $0x0, v1  }
0x12b: {  	[tilespmem:s21+$0x1CA00] =	vst v1;
	s21 =	sshra.s32 s22, $0x2;
	s22 =	sadd.s32 $0x40, s22  }
0x12c: {  	v1 =	vld [tilespmem:s21+$0x1CA00];
	_ =	sdelay $0x4  }
0x12d: {  	s20 =	sadd.s32 $0x1, s20;
	vm0 =	veq.f32 v1, $-Inf  }
0x12e: {  	p0 =	sne.s32 s20, s9;
	v1 =	vsel vm0, $0x0, v1  }
.Ltmp9:
0x12f: {  	[tilespmem:s21+$0x1CA00] =	vst v1;
	(pc) =	sbr.rel @p0 .LBB2_1-.Ltmp9, $4  }
0x130: {  	[hbm4b:s8+s18] =	stream.strided.scatter [tilespmem:s16], [sflag:$0x1], $0x1000, s19, s18, $0x38;
	[tilespmem:$0x1EA00] =	vst v63  }
0x131: {  	_ =	swait.ge [sflag:s12], $0x1000  }
0x132: {  	[sflag:s12] =	ssyncset.done $0x0  }
0x133: {  	[sflag:s12] =	ssyncadd.s32 $0xFFFFF000  }
0x134: {  	_ =	sfence.sel $0x180000  }
0x135: {  	[bflag:$0x0] =	sbarrier.arrive $0xFFFF  }
0x136: {  	p0 =	sne.s32 s4, $0x0;
	_ =	strace $0x90000047  }
0x137: {  	s0 =	sadd.s32 @!p0 $0x100000, s0;
	[bflag:$0x2] =	sbarrier.arrive $0xFFFF  }
0x138: {  	[sflag:s0] =	ssyncadd.tile.s32 @!p0 $0x1;
	_ =	shalt  }
.Lfunc_end2:
_tile_overlayer_lowered:
.L_overlay_start_2:
0x139: {  	(tag) =	ssettag $0x2  }
0x13a: {  	s0 =	rddreg [dreg:$0x0];
	s2 =	stileid.u32  }
0x13b: {  	s1 =	rddreg [dreg:$0x1];
	p0 =	sne.s32 s2, $0x0  }
0x13c: {  	s3 =	rddreg [dreg:$0x2];
	[bflag:$0x3] =	sbarrier.arrive $0xFFFF;
	s2 =	simm.s32 @!p0 $0x1C01  }
0x13d: {  	[timem:s3], [sflag:s2] =	dma.local @!p0 [hbm:s0], s1  }
0x13e: {  	s0 =	simm.s32 @!p0 $0x1  }
0x13f: {  	_ =	swait.ge @!p0 [sflag:s0], s1  }
0x140: {  	s1 =	ssub.s32 @!p0 $0x0, s1;
	[sflag:s0] =	ssyncset.done @!p0 $0x0  }
0x141: {  	[sflag:s0] =	ssyncadd.s32 @!p0 s1  }
0x142: {  	[bflag:$0x3] =	sbarrier.arrive $0xFFFF  }
0x143: {  	_ =	shalt  }

</sc_bundles>
